<compile_context>
chip_gen: v7x
topology: tpu7x:2x2x1
jax: 0.10.2.dev20260603
libtpu: 0.0.44.dev20260713+nightly
codegen_flags: <defaults>
</compile_context>

<pallas_src>
import functools

import jax
import jax.numpy as jnp
from jax import lax
from jax.experimental import pallas as pl
from jax.experimental.pallas import tpu as pltpu
from jax.experimental.pallas import tpu_sc as plsc

ROWS, COLS = 16384, 256
L = 16
GROUPS = COLS // L
CHUNK = 64


def kernel(x, permutation):
    info = plsc.get_sparse_core_info()
    nc, ns = info.num_cores, info.num_subcores
    nw = nc * ns
    rows_per_w = ROWS // nw
    nchunk = rows_per_w // CHUNK
    npair = nchunk // 2

    mesh = plsc.VectorSubcoreMesh(core_axis_name="c", subcore_axis_name="s")

    @functools.partial(
        pl.kernel,
        mesh=mesh,
        out_type=(
            jax.ShapeDtypeStruct((ROWS, COLS), jnp.float32),
            jax.ShapeDtypeStruct((ROWS,), jnp.float32),
        ),
        scratch_types=[
            pltpu.VMEM((COLS,), jnp.int32),
            pltpu.VMEM((rows_per_w,), jnp.float32),
            pltpu.VMEM((CHUNK, COLS), jnp.float32),
            pltpu.VMEM((CHUNK, COLS), jnp.float32),
            pltpu.VMEM((CHUNK, COLS), jnp.float32),
            pltpu.VMEM((CHUNK, COLS), jnp.float32),
            pltpu.SemaphoreType.DMA,
            pltpu.SemaphoreType.DMA,
            pltpu.SemaphoreType.DMA,
            pltpu.SemaphoreType.DMA,
        ],
        compiler_params=pltpu.CompilerParams(needs_layout_passes=False),
    )
    def run(x_hbm, perm_hbm, out_hbm, log_hbm, perm_v, zero_v,
            in0, in1, out0, out1, si0, si1, so0, so1):
        wid = lax.axis_index("s") * nc + lax.axis_index("c")
        base = wid * rows_per_w

        def in_copy(c, buf, sem):
            return pltpu.make_async_copy(
                x_hbm.at[pl.ds(base + c * CHUNK, CHUNK)], buf, sem)

        def out_copy(c, buf, sem):
            return pltpu.make_async_copy(
                buf, out_hbm.at[pl.ds(base + c * CHUNK, CHUNK)], sem)

        in_copy(0, in0, si0).start()
        in_copy(1, in1, si1).start()

        pltpu.sync_copy(perm_hbm, perm_v)
        perm_vecs = [perm_v[pl.ds(g * L, L)] for g in range(GROUPS)]

        zeros = jnp.zeros((L,), jnp.float32)

        @plsc.parallel_loop(0, rows_per_w // L, 1, unroll=1)
        def zbody(i):
            zero_v[pl.ds(i * L, L)] = zeros

        pltpu.sync_copy(zero_v, log_hbm.at[pl.ds(base, rows_per_w)])

        def compute(in_v, out_v):
            @plsc.parallel_loop(0, CHUNK, 1, unroll=1)
            def body(r):
                row_idx = jnp.full((L,), r, dtype=jnp.int32)
                for g in range(GROUPS):
                    out_v[r, pl.ds(g * L, L)] = plsc.load_gather(
                        in_v, [row_idx, perm_vecs[g]])

        def pair(k, carry):
            c0 = 2 * k

            in_copy(c0, in0, si0).wait()

            @pl.when(k >= 1)
            def _():
                out_copy(c0 - 2, out0, so0).wait()

            compute(in0, out0)
            out_copy(c0, out0, so0).start()

            @pl.when(k + 1 < npair)
            def _():
                in_copy(c0 + 2, in0, si0).start()

            in_copy(c0 + 1, in1, si1).wait()

            @pl.when(k >= 1)
            def _():
                out_copy(c0 - 1, out1, so1).wait()

            compute(in1, out1)
            out_copy(c0 + 1, out1, so1).start()

            @pl.when(k + 1 < npair)
            def _():
                in_copy(c0 + 3, in1, si1).start()

            return carry

        lax.fori_loop(0, npair, pair, 0)

        out_copy(nchunk - 2, out0, so0).wait()
        out_copy(nchunk - 1, out1, so1).wait()

    out, log_det = run(x, permutation)
    return out, log_det

# --- scband reference (transcript-rebuilt; emitter-appended) ---
"""Pipeline reference for scband-permutation-50405736186397 (READ-ONLY COPY).

The authoritative reference and input builder live on the scoring server;
editing this copy changes nothing except your own understanding.
"""

import jax, jax.numpy as jnp
import numpy as np


def setup_inputs(seed: int = 0) -> dict:
    key = jax.random.key(seed)
    x = jax.random.normal(key, (16384, 256), dtype=jnp.float32)
    permutation = jnp.arange(255, -1, -1, dtype=jnp.int32)
    return {"x": x, "permutation": permutation}


def reference(x, permutation):
    # Faithful translation of _Permutation.forward:
    #   return (x[:, self.permutation], torch.zeros(x.shape[0], ...))
    out = jnp.take(x, permutation, axis=1)
    log_det = jnp.zeros(x.shape[0], dtype=x.dtype)
    return (out, log_det)

if __name__ == "__main__":
    import jax
    _d = setup_inputs()
    print(jax.jit(kernel)(*tuple(_d.values())))

</pallas_src>

<mosaic_0001>
#map = affine_map<(d0, d1) -> (0, 0)>
#map1 = affine_map<(d0, d1) -> (0)>
module attributes {stable_mosaic.version = 14 : i64} {
  func.func @run(%arg0: i32, %arg1: i32, %arg2: memref<16384x256xf32, #tpu.memory_space<hbm>>, %arg3: memref<256xi32, #tpu.memory_space<hbm>>, %arg4: memref<16384x256xf32, #tpu.memory_space<hbm>>, %arg5: memref<16384xf32, #tpu.memory_space<hbm>>, %arg6: memref<256xi32, #tpu.memory_space<vmem>>, %arg7: memref<512xf32, #tpu.memory_space<vmem>>, %arg8: memref<64x256xf32, #tpu.memory_space<vmem>>, %arg9: memref<64x256xf32, #tpu.memory_space<vmem>>, %arg10: memref<64x256xf32, #tpu.memory_space<vmem>>, %arg11: memref<64x256xf32, #tpu.memory_space<vmem>>, %arg12: memref<!tpu.dma_semaphore, #tpu.memory_space<semaphore_mem>>, %arg13: memref<!tpu.dma_semaphore, #tpu.memory_space<semaphore_mem>>, %arg14: memref<!tpu.dma_semaphore, #tpu.memory_space<semaphore_mem>>, %arg15: memref<!tpu.dma_semaphore, #tpu.memory_space<semaphore_mem>>) attributes {dimension_semantics = [#tpu.dimension_semantics<core_parallel>, #tpu.dimension_semantics<subcore_parallel>], iteration_bounds = array<i64: 2, 16>, scalar_prefetch = 0 : i64, scratch_operands = 10 : i64, tpu.core_type = #tpu.core_type<sc_vector_subcore>, window_params = [{transform_indices = #map}, {transform_indices = #map1}, {transform_indices = #map}, {transform_indices = #map1}]} {
    %mul3A = arith.constant 2 : i32
    %mul3A_0 = arith.muli %arg1, %mul3A : i32
    %add3A = arith.addi %mul3A_0, %arg0 : i32
    %mul3A_1 = arith.constant 512 : i32
    %mul3A_2 = arith.muli %add3A, %mul3A_1 : i32
    %add3A_3 = arith.constant 0 : i32
    %add3A_4 = arith.addi %mul3A_2, %add3A_3 : i32
    %dma_start3A = arith.constant 0 : i32
    %dma_start3A_5 = tpu.memref_slice %arg2[%add3A_4, %dma_start3A] : memref<16384x256xf32, #tpu.memory_space<hbm>> -> memref<64x256xf32, #tpu.memory_space<hbm>>
    %dma_start3A_6 = arith.constant 0 : i32
    %dma_start3A_7 = tpu.memref_slice %arg2[%add3A_4, %dma_start3A_6] : memref<16384x256xf32, #tpu.memory_space<hbm>> -> memref<64x256xf32, #tpu.memory_space<hbm>>
    tpu.enqueue_dma source(%dma_start3A_7 : memref<64x256xf32, #tpu.memory_space<hbm>>) target(%arg8 : memref<64x256xf32, #tpu.memory_space<vmem>>) target_semaphore(%arg12 : memref<!tpu.dma_semaphore, #tpu.memory_space<semaphore_mem>>)
    %add3A_8 = arith.constant 64 : i32
    %add3A_9 = arith.addi %mul3A_2, %add3A_8 : i32
    %dma_start3A_10 = arith.constant 0 : i32
    %dma_start3A_11 = tpu.memref_slice %arg2[%add3A_9, %dma_start3A_10] : memref<16384x256xf32, #tpu.memory_space<hbm>> -> memref<64x256xf32, #tpu.memory_space<hbm>>
    %dma_start3A_12 = arith.constant 0 : i32
    %dma_start3A_13 = tpu.memref_slice %arg2[%add3A_9, %dma_start3A_12] : memref<16384x256xf32, #tpu.memory_space<hbm>> -> memref<64x256xf32, #tpu.memory_space<hbm>>
    tpu.enqueue_dma source(%dma_start3A_13 : memref<64x256xf32, #tpu.memory_space<hbm>>) target(%arg9 : memref<64x256xf32, #tpu.memory_space<vmem>>) target_semaphore(%arg13 : memref<!tpu.dma_semaphore, #tpu.memory_space<semaphore_mem>>)
    "tpu.region"() ({
      %run_scoped3A = tpu.sem_alloc : memref<!tpu.dma_semaphore, #tpu.memory_space<semaphore_mem>>
      tpu.enqueue_dma source(%arg3 : memref<256xi32, #tpu.memory_space<hbm>>) target(%arg6 : memref<256xi32, #tpu.memory_space<vmem>>) target_semaphore(%run_scoped3A : memref<!tpu.dma_semaphore, #tpu.memory_space<semaphore_mem>>)
      tpu.wait_dma2 semaphore(%run_scoped3A : memref<!tpu.dma_semaphore, #tpu.memory_space<semaphore_mem>>) src(%arg3 : memref<256xi32, #tpu.memory_space<hbm>>) dst(%arg6 : memref<256xi32, #tpu.memory_space<vmem>>)
      tpu.yield
    }) : () -> ()
    %get3A = arith.constant 0 : index
    %get3A_14 = tpu.vector_load %arg6[%get3A] {strides = array<i32>} : memref<256xi32, #tpu.memory_space<vmem>>, vector<16xi32>,
    %get3A_15 = arith.constant 16 : index
    %get3A_16 = tpu.vector_load %arg6[%get3A_15] {strides = array<i32>} : memref<256xi32, #tpu.memory_space<vmem>>, vector<16xi32>,
    %get3A_17 = arith.constant 32 : index
    %get3A_18 = tpu.vector_load %arg6[%get3A_17] {strides = array<i32>} : memref<256xi32, #tpu.memory_space<vmem>>, vector<16xi32>,
    %get3A_19 = arith.constant 48 : index
    %get3A_20 = tpu.vector_load %arg6[%get3A_19] {strides = array<i32>} : memref<256xi32, #tpu.memory_space<vmem>>, vector<16xi32>,
    %get3A_21 = arith.constant 64 : index
    %get3A_22 = tpu.vector_load %arg6[%get3A_21] {strides = array<i32>} : memref<256xi32, #tpu.memory_space<vmem>>, vector<16xi32>,
    %get3A_23 = arith.constant 80 : index
    %get3A_24 = tpu.vector_load %arg6[%get3A_23] {strides = array<i32>} : memref<256xi32, #tpu.memory_space<vmem>>, vector<16xi32>,
    %get3A_25 = arith.constant 96 : index
    %get3A_26 = tpu.vector_load %arg6[%get3A_25] {strides = array<i32>} : memref<256xi32, #tpu.memory_space<vmem>>, vector<16xi32>,
    %get3A_27 = arith.constant 112 : index
    %get3A_28 = tpu.vector_load %arg6[%get3A_27] {strides = array<i32>} : memref<256xi32, #tpu.memory_space<vmem>>, vector<16xi32>,
    %get3A_29 = arith.constant 128 : index
    %get3A_30 = tpu.vector_load %arg6[%get3A_29] {strides = array<i32>} : memref<256xi32, #tpu.memory_space<vmem>>, vector<16xi32>,
    %get3A_31 = arith.constant 144 : index
    %get3A_32 = tpu.vector_load %arg6[%get3A_31] {strides = array<i32>} : memref<256xi32, #tpu.memory_space<vmem>>, vector<16xi32>,
    %get3A_33 = arith.constant 160 : index
    %get3A_34 = tpu.vector_load %arg6[%get3A_33] {strides = array<i32>} : memref<256xi32, #tpu.memory_space<vmem>>, vector<16xi32>,
    %get3A_35 = arith.constant 176 : index
    %get3A_36 = tpu.vector_load %arg6[%get3A_35] {strides = array<i32>} : memref<256xi32, #tpu.memory_space<vmem>>, vector<16xi32>,
    %get3A_37 = arith.constant 192 : index
    %get3A_38 = tpu.vector_load %arg6[%get3A_37] {strides = array<i32>} : memref<256xi32, #tpu.memory_space<vmem>>, vector<16xi32>,
    %get3A_39 = arith.constant 208 : index
    %get3A_40 = tpu.vector_load %arg6[%get3A_39] {strides = array<i32>} : memref<256xi32, #tpu.memory_space<vmem>>, vector<16xi32>,
    %get3A_41 = arith.constant 224 : index
    %get3A_42 = tpu.vector_load %arg6[%get3A_41] {strides = array<i32>} : memref<256xi32, #tpu.memory_space<vmem>>, vector<16xi32>,
    %get3A_43 = arith.constant 240 : index
    %get3A_44 = tpu.vector_load %arg6[%get3A_43] {strides = array<i32>} : memref<256xi32, #tpu.memory_space<vmem>>, vector<16xi32>,
    %broadcast_in_dim3A = arith.constant 0.000000e+00 : f32
    %broadcast_in_dim3A_45 = vector.broadcast %broadcast_in_dim3A : f32 to vector<16xf32>
    %parallel_loop3A = arith.constant 0 : i32
    %parallel_loop3A_46 = arith.constant 32 : i32
    %parallel_loop3A_47 = arith.constant 1 : i32
    scf.for %parallel_loop3A_64 = %parallel_loop3A to %parallel_loop3A_46 step %parallel_loop3A_47  : i32 {
      %parallel_loop3A_65 = arith.constant 16 : i32
      %parallel_loop3A_66 = arith.muli %parallel_loop3A_64, %parallel_loop3A_65 : i32
      %parallel_loop3A_67 = arith.index_cast %parallel_loop3A_66 : i32 to index
      %parallel_loop3A_68 = tpu.vector_load %arg7[%parallel_loop3A_67] {strides = array<i32>} : memref<512xf32, #tpu.memory_space<vmem>>, vector<16xf32>,
      tpu.vector_store %arg7[%parallel_loop3A_67], %broadcast_in_dim3A_45 {strides = array<i32>} : memref<512xf32, #tpu.memory_space<vmem>>, vector<16xf32>,
    } {sc.loop_unroll_factor = 1 : i64, sc.parallel_access}
    "tpu.region"() ({
      %run_scoped3A = tpu.sem_alloc : memref<!tpu.dma_semaphore, #tpu.memory_space<semaphore_mem>>
      %dma_start3A_64 = tpu.memref_slice %arg5[%mul3A_2] : memref<16384xf32, #tpu.memory_space<hbm>> -> memref<512xf32, #tpu.memory_space<hbm>>
      %dma_start3A_65 = tpu.memref_slice %arg5[%mul3A_2] : memref<16384xf32, #tpu.memory_space<hbm>> -> memref<512xf32, #tpu.memory_space<hbm>>
      tpu.enqueue_dma source(%arg7 : memref<512xf32, #tpu.memory_space<vmem>>) target(%dma_start3A_65 : memref<512xf32, #tpu.memory_space<hbm>>) target_semaphore(%run_scoped3A : memref<!tpu.dma_semaphore, #tpu.memory_space<semaphore_mem>>)
      %dma_wait3A_66 = tpu.memref_slice %arg5[%mul3A_2] : memref<16384xf32, #tpu.memory_space<hbm>> -> memref<512xf32, #tpu.memory_space<hbm>>
      %dma_wait3A_67 = tpu.memref_slice %arg5[%mul3A_2] : memref<16384xf32, #tpu.memory_space<hbm>> -> memref<512xf32, #tpu.memory_space<hbm>>
      tpu.wait_dma2 semaphore(%run_scoped3A : memref<!tpu.dma_semaphore, #tpu.memory_space<semaphore_mem>>) src(%arg7 : memref<512xf32, #tpu.memory_space<vmem>>) dst(%dma_wait3A_67 : memref<512xf32, #tpu.memory_space<hbm>>)
      tpu.yield
    }) : () -> ()
    %scan3A = arith.constant 0 : i32
    %scan3A_48 = arith.constant 0 : i32
    %scan3A_49 = arith.constant 4 : i32
    %scan3A_50 = arith.addi %scan3A_48, %scan3A_49 : i32
    %scan3A_51 = arith.constant 1 : i32
    scf.for %scan3A_64 = %scan3A_48 to %scan3A_50 step %scan3A_51  : i32 {
      %mul3A_65 = arith.constant 2 : i32
      %mul3A_66 = arith.muli %mul3A_65, %scan3A_64 : i32
      %mul3A_67 = arith.constant 64 : i32
      %mul3A_68 = arith.muli %mul3A_66, %mul3A_67 : i32
      %add3A_69 = arith.addi %mul3A_2, %mul3A_68 : i32
      %dma_wait3A_70 = arith.constant 0 : i32
      %dma_wait3A_71 = tpu.memref_slice %arg2[%add3A_69, %dma_wait3A_70] : memref<16384x256xf32, #tpu.memory_space<hbm>> -> memref<64x256xf32, #tpu.memory_space<hbm>>
      %dma_wait3A_72 = arith.constant 0 : i32
      %dma_wait3A_73 = tpu.memref_slice %arg2[%add3A_69, %dma_wait3A_72] : memref<16384x256xf32, #tpu.memory_space<hbm>> -> memref<64x256xf32, #tpu.memory_space<hbm>>
      tpu.wait_dma2 semaphore(%arg12 : memref<!tpu.dma_semaphore, #tpu.memory_space<semaphore_mem>>) src(%dma_wait3A_73 : memref<64x256xf32, #tpu.memory_space<hbm>>) dst(%arg8 : memref<64x256xf32, #tpu.memory_space<vmem>>)
      %ge3A = arith.constant 1 : i32
      %ge3A_74 = arith.cmpi sge, %scan3A_64, %ge3A : i32
      %convert_element_type3A = arith.extui %ge3A_74 : i1 to i32
      %cond3A = arith.constant 0 : i32
      %cond3A_75 = arith.cmpi ne, %convert_element_type3A, %cond3A : i32
      scf.if %cond3A_75 {
        %sub3A = arith.constant 2 : i32
        %sub3A_125 = arith.subi %mul3A_66, %sub3A : i32
        %mul3A_126 = arith.constant 64 : i32
        %mul3A_127 = arith.muli %sub3A_125, %mul3A_126 : i32
        %add3A_128 = arith.addi %mul3A_2, %mul3A_127 : i32
        %dma_wait3A_129 = arith.constant 0 : i32
        %dma_wait3A_130 = tpu.memref_slice %arg4[%add3A_128, %dma_wait3A_129] : memref<16384x256xf32, #tpu.memory_space<hbm>> -> memref<64x256xf32, #tpu.memory_space<hbm>>
        %dma_wait3A_131 = arith.constant 0 : i32
        %dma_wait3A_132 = tpu.memref_slice %arg4[%add3A_128, %dma_wait3A_131] : memref<16384x256xf32, #tpu.memory_space<hbm>> -> memref<64x256xf32, #tpu.memory_space<hbm>>
        tpu.wait_dma2 semaphore(%arg14 : memref<!tpu.dma_semaphore, #tpu.memory_space<semaphore_mem>>) src(%arg10 : memref<64x256xf32, #tpu.memory_space<vmem>>) dst(%dma_wait3A_132 : memref<64x256xf32, #tpu.memory_space<hbm>>)
      } else {
      }
      %parallel_loop3A_76 = arith.constant 0 : i32
      %parallel_loop3A_77 = arith.constant 64 : i32
      %parallel_loop3A_78 = arith.constant 1 : i32
      scf.for %parallel_loop3A_125 = %parallel_loop3A_76 to %parallel_loop3A_77 step %parallel_loop3A_78  : i32 {
        %parallel_loop3A_126 = vector.broadcast %parallel_loop3A_125 : i32 to vector<16xi32>
        %parallel_loop3A_127 = tpu.vector_load_idx %arg8[%parallel_loop3A_126, %get3A_14] : memref<64x256xf32, #tpu.memory_space<vmem>>[vector<16xi32>, vector<16xi32>], vector<16xf32>,
        %parallel_loop3A_128 = arith.index_cast %parallel_loop3A_125 : i32 to index
        %parallel_loop3A_129 = arith.constant 0 : index
        %parallel_loop3A_130 = tpu.vector_load %arg10[%parallel_loop3A_128, %parallel_loop3A_129] {strides = array<i32>} : memref<64x256xf32, #tpu.memory_space<vmem>>, vector<16xf32>,
        tpu.vector_store %arg10[%parallel_loop3A_128, %parallel_loop3A_129], %parallel_loop3A_127 {strides = array<i32>} : memref<64x256xf32, #tpu.memory_space<vmem>>, vector<16xf32>,
        %parallel_loop3A_131 = tpu.vector_load_idx %arg8[%parallel_loop3A_126, %get3A_16] : memref<64x256xf32, #tpu.memory_space<vmem>>[vector<16xi32>, vector<16xi32>], vector<16xf32>,
        %parallel_loop3A_132 = arith.index_cast %parallel_loop3A_125 : i32 to index
        %parallel_loop3A_133 = arith.constant 16 : index
        %parallel_loop3A_134 = tpu.vector_load %arg10[%parallel_loop3A_132, %parallel_loop3A_133] {strides = array<i32>} : memref<64x256xf32, #tpu.memory_space<vmem>>, vector<16xf32>,
        tpu.vector_store %arg10[%parallel_loop3A_132, %parallel_loop3A_133], %parallel_loop3A_131 {strides = array<i32>} : memref<64x256xf32, #tpu.memory_space<vmem>>, vector<16xf32>,
        %parallel_loop3A_135 = tpu.vector_load_idx %arg8[%parallel_loop3A_126, %get3A_18] : memref<64x256xf32, #tpu.memory_space<vmem>>[vector<16xi32>, vector<16xi32>], vector<16xf32>,
        %parallel_loop3A_136 = arith.index_cast %parallel_loop3A_125 : i32 to index
        %parallel_loop3A_137 = arith.constant 32 : index
        %parallel_loop3A_138 = tpu.vector_load %arg10[%parallel_loop3A_136, %parallel_loop3A_137] {strides = array<i32>} : memref<64x256xf32, #tpu.memory_space<vmem>>, vector<16xf32>,
        tpu.vector_store %arg10[%parallel_loop3A_136, %parallel_loop3A_137], %parallel_loop3A_135 {strides = array<i32>} : memref<64x256xf32, #tpu.memory_space<vmem>>, vector<16xf32>,
        %parallel_loop3A_139 = tpu.vector_load_idx %arg8[%parallel_loop3A_126, %get3A_20] : memref<64x256xf32, #tpu.memory_space<vmem>>[vector<16xi32>, vector<16xi32>], vector<16xf32>,
        %parallel_loop3A_140 = arith.index_cast %parallel_loop3A_125 : i32 to index
        %parallel_loop3A_141 = arith.constant 48 : index
        %parallel_loop3A_142 = tpu.vector_load %arg10[%parallel_loop3A_140, %parallel_loop3A_141] {strides = array<i32>} : memref<64x256xf32, #tpu.memory_space<vmem>>, vector<16xf32>,
        tpu.vector_store %arg10[%parallel_loop3A_140, %parallel_loop3A_141], %parallel_loop3A_139 {strides = array<i32>} : memref<64x256xf32, #tpu.memory_space<vmem>>, vector<16xf32>,
        %parallel_loop3A_143 = tpu.vector_load_idx %arg8[%parallel_loop3A_126, %get3A_22] : memref<64x256xf32, #tpu.memory_space<vmem>>[vector<16xi32>, vector<16xi32>], vector<16xf32>,
        %parallel_loop3A_144 = arith.index_cast %parallel_loop3A_125 : i32 to index
        %parallel_loop3A_145 = arith.constant 64 : index
        %parallel_loop3A_146 = tpu.vector_load %arg10[%parallel_loop3A_144, %parallel_loop3A_145] {strides = array<i32>} : memref<64x256xf32, #tpu.memory_space<vmem>>, vector<16xf32>,
        tpu.vector_store %arg10[%parallel_loop3A_144, %parallel_loop3A_145], %parallel_loop3A_143 {strides = array<i32>} : memref<64x256xf32, #tpu.memory_space<vmem>>, vector<16xf32>,
        %parallel_loop3A_147 = tpu.vector_load_idx %arg8[%parallel_loop3A_126, %get3A_24] : memref<64x256xf32, #tpu.memory_space<vmem>>[vector<16xi32>, vector<16xi32>], vector<16xf32>,
        %parallel_loop3A_148 = arith.index_cast %parallel_loop3A_125 : i32 to index
        %parallel_loop3A_149 = arith.constant 80 : index
        %parallel_loop3A_150 = tpu.vector_load %arg10[%parallel_loop3A_148, %parallel_loop3A_149] {strides = array<i32>} : memref<64x256xf32, #tpu.memory_space<vmem>>, vector<16xf32>,
        tpu.vector_store %arg10[%parallel_loop3A_148, %parallel_loop3A_149], %parallel_loop3A_147 {strides = array<i32>} : memref<64x256xf32, #tpu.memory_space<vmem>>, vector<16xf32>,
        %parallel_loop3A_151 = tpu.vector_load_idx %arg8[%parallel_loop3A_126, %get3A_26] : memref<64x256xf32, #tpu.memory_space<vmem>>[vector<16xi32>, vector<16xi32>], vector<16xf32>,
        %parallel_loop3A_152 = arith.index_cast %parallel_loop3A_125 : i32 to index
        %parallel_loop3A_153 = arith.constant 96 : index
        %parallel_loop3A_154 = tpu.vector_load %arg10[%parallel_loop3A_152, %parallel_loop3A_153] {strides = array<i32>} : memref<64x256xf32, #tpu.memory_space<vmem>>, vector<16xf32>,
        tpu.vector_store %arg10[%parallel_loop3A_152, %parallel_loop3A_153], %parallel_loop3A_151 {strides = array<i32>} : memref<64x256xf32, #tpu.memory_space<vmem>>, vector<16xf32>,
        %parallel_loop3A_155 = tpu.vector_load_idx %arg8[%parallel_loop3A_126, %get3A_28] : memref<64x256xf32, #tpu.memory_space<vmem>>[vector<16xi32>, vector<16xi32>], vector<16xf32>,
        %parallel_loop3A_156 = arith.index_cast %parallel_loop3A_125 : i32 to index
        %parallel_loop3A_157 = arith.constant 112 : index
        %parallel_loop3A_158 = tpu.vector_load %arg10[%parallel_loop3A_156, %parallel_loop3A_157] {strides = array<i32>} : memref<64x256xf32, #tpu.memory_space<vmem>>, vector<16xf32>,
        tpu.vector_store %arg10[%parallel_loop3A_156, %parallel_loop3A_157], %parallel_loop3A_155 {strides = array<i32>} : memref<64x256xf32, #tpu.memory_space<vmem>>, vector<16xf32>,
        %parallel_loop3A_159 = tpu.vector_load_idx %arg8[%parallel_loop3A_126, %get3A_30] : memref<64x256xf32, #tpu.memory_space<vmem>>[vector<16xi32>, vector<16xi32>], vector<16xf32>,
        %parallel_loop3A_160 = arith.index_cast %parallel_loop3A_125 : i32 to index
        %parallel_loop3A_161 = arith.constant 128 : index
        %parallel_loop3A_162 = tpu.vector_load %arg10[%parallel_loop3A_160, %parallel_loop3A_161] {strides = array<i32>} : memref<64x256xf32, #tpu.memory_space<vmem>>, vector<16xf32>,
        tpu.vector_store %arg10[%parallel_loop3A_160, %parallel_loop3A_161], %parallel_loop3A_159 {strides = array<i32>} : memref<64x256xf32, #tpu.memory_space<vmem>>, vector<16xf32>,
        %parallel_loop3A_163 = tpu.vector_load_idx %arg8[%parallel_loop3A_126, %get3A_32] : memref<64x256xf32, #tpu.memory_space<vmem>>[vector<16xi32>, vector<16xi32>], vector<16xf32>,
        %parallel_loop3A_164 = arith.index_cast %parallel_loop3A_125 : i32 to index
        %parallel_loop3A_165 = arith.constant 144 : index
        %parallel_loop3A_166 = tpu.vector_load %arg10[%parallel_loop3A_164, %parallel_loop3A_165] {strides = array<i32>} : memref<64x256xf32, #tpu.memory_space<vmem>>, vector<16xf32>,
        tpu.vector_store %arg10[%parallel_loop3A_164, %parallel_loop3A_165], %parallel_loop3A_163 {strides = array<i32>} : memref<64x256xf32, #tpu.memory_space<vmem>>, vector<16xf32>,
        %parallel_loop3A_167 = tpu.vector_load_idx %arg8[%parallel_loop3A_126, %get3A_34] : memref<64x256xf32, #tpu.memory_space<vmem>>[vector<16xi32>, vector<16xi32>], vector<16xf32>,
        %parallel_loop3A_168 = arith.index_cast %parallel_loop3A_125 : i32 to index
        %parallel_loop3A_169 = arith.constant 160 : index
        %parallel_loop3A_170 = tpu.vector_load %arg10[%parallel_loop3A_168, %parallel_loop3A_169] {strides = array<i32>} : memref<64x256xf32, #tpu.memory_space<vmem>>, vector<16xf32>,
        tpu.vector_store %arg10[%parallel_loop3A_168, %parallel_loop3A_169], %parallel_loop3A_167 {strides = array<i32>} : memref<64x256xf32, #tpu.memory_space<vmem>>, vector<16xf32>,
        %parallel_loop3A_171 = tpu.vector_load_idx %arg8[%parallel_loop3A_126, %get3A_36] : memref<64x256xf32, #tpu.memory_space<vmem>>[vector<16xi32>, vector<16xi32>], vector<16xf32>,
        %parallel_loop3A_172 = arith.index_cast %parallel_loop3A_125 : i32 to index
        %parallel_loop3A_173 = arith.constant 176 : index
        %parallel_loop3A_174 = tpu.vector_load %arg10[%parallel_loop3A_172, %parallel_loop3A_173] {strides = array<i32>} : memref<64x256xf32, #tpu.memory_space<vmem>>, vector<16xf32>,
        tpu.vector_store %arg10[%parallel_loop3A_172, %parallel_loop3A_173], %parallel_loop3A_171 {strides = array<i32>} : memref<64x256xf32, #tpu.memory_space<vmem>>, vector<16xf32>,
        %parallel_loop3A_175 = tpu.vector_load_idx %arg8[%parallel_loop3A_126, %get3A_38] : memref<64x256xf32, #tpu.memory_space<vmem>>[vector<16xi32>, vector<16xi32>], vector<16xf32>,
        %parallel_loop3A_176 = arith.index_cast %parallel_loop3A_125 : i32 to index
        %parallel_loop3A_177 = arith.constant 192 : index
        %parallel_loop3A_178 = tpu.vector_load %arg10[%parallel_loop3A_176, %parallel_loop3A_177] {strides = array<i32>} : memref<64x256xf32, #tpu.memory_space<vmem>>, vector<16xf32>,
        tpu.vector_store %arg10[%parallel_loop3A_176, %parallel_loop3A_177], %parallel_loop3A_175 {strides = array<i32>} : memref<64x256xf32, #tpu.memory_space<vmem>>, vector<16xf32>,
        %parallel_loop3A_179 = tpu.vector_load_idx %arg8[%parallel_loop3A_126, %get3A_40] : memref<64x256xf32, #tpu.memory_space<vmem>>[vector<16xi32>, vector<16xi32>], vector<16xf32>,
        %parallel_loop3A_180 = arith.index_cast %parallel_loop3A_125 : i32 to index
        %parallel_loop3A_181 = arith.constant 208 : index
        %parallel_loop3A_182 = tpu.vector_load %arg10[%parallel_loop3A_180, %parallel_loop3A_181] {strides = array<i32>} : memref<64x256xf32, #tpu.memory_space<vmem>>, vector<16xf32>,
        tpu.vector_store %arg10[%parallel_loop3A_180, %parallel_loop3A_181], %parallel_loop3A_179 {strides = array<i32>} : memref<64x256xf32, #tpu.memory_space<vmem>>, vector<16xf32>,
        %parallel_loop3A_183 = tpu.vector_load_idx %arg8[%parallel_loop3A_126, %get3A_42] : memref<64x256xf32, #tpu.memory_space<vmem>>[vector<16xi32>, vector<16xi32>], vector<16xf32>,
        %parallel_loop3A_184 = arith.index_cast %parallel_loop3A_125 : i32 to index
        %parallel_loop3A_185 = arith.constant 224 : index
        %parallel_loop3A_186 = tpu.vector_load %arg10[%parallel_loop3A_184, %parallel_loop3A_185] {strides = array<i32>} : memref<64x256xf32, #tpu.memory_space<vmem>>, vector<16xf32>,
        tpu.vector_store %arg10[%parallel_loop3A_184, %parallel_loop3A_185], %parallel_loop3A_183 {strides = array<i32>} : memref<64x256xf32, #tpu.memory_space<vmem>>, vector<16xf32>,
        %parallel_loop3A_187 = tpu.vector_load_idx %arg8[%parallel_loop3A_126, %get3A_44] : memref<64x256xf32, #tpu.memory_space<vmem>>[vector<16xi32>, vector<16xi32>], vector<16xf32>,
        %parallel_loop3A_188 = arith.index_cast %parallel_loop3A_125 : i32 to index
        %parallel_loop3A_189 = arith.constant 240 : index
        %parallel_loop3A_190 = tpu.vector_load %arg10[%parallel_loop3A_188, %parallel_loop3A_189] {strides = array<i32>} : memref<64x256xf32, #tpu.memory_space<vmem>>, vector<16xf32>,
        tpu.vector_store %arg10[%parallel_loop3A_188, %parallel_loop3A_189], %parallel_loop3A_187 {strides = array<i32>} : memref<64x256xf32, #tpu.memory_space<vmem>>, vector<16xf32>,
      } {sc.loop_unroll_factor = 1 : i64, sc.parallel_access}
      %mul3A_79 = arith.constant 64 : i32
      %mul3A_80 = arith.muli %mul3A_66, %mul3A_79 : i32
      %add3A_81 = arith.addi %mul3A_2, %mul3A_80 : i32
      %dma_start3A_82 = arith.constant 0 : i32
      %dma_start3A_83 = tpu.memref_slice %arg4[%add3A_81, %dma_start3A_82] : memref<16384x256xf32, #tpu.memory_space<hbm>> -> memref<64x256xf32, #tpu.memory_space<hbm>>
      %dma_start3A_84 = arith.constant 0 : i32
      %dma_start3A_85 = tpu.memref_slice %arg4[%add3A_81, %dma_start3A_84] : memref<16384x256xf32, #tpu.memory_space<hbm>> -> memref<64x256xf32, #tpu.memory_space<hbm>>
      tpu.enqueue_dma source(%arg10 : memref<64x256xf32, #tpu.memory_space<vmem>>) target(%dma_start3A_85 : memref<64x256xf32, #tpu.memory_space<hbm>>) target_semaphore(%arg14 : memref<!tpu.dma_semaphore, #tpu.memory_space<semaphore_mem>>)
      %add3A_86 = arith.constant 1 : i32
      %add3A_87 = arith.addi %scan3A_64, %add3A_86 : i32
      %lt3A = arith.constant 4 : i32
      %lt3A_88 = arith.cmpi slt, %add3A_87, %lt3A : i32
      %convert_element_type3A_89 = arith.extui %lt3A_88 : i1 to i32
      %cond3A_90 = arith.constant 0 : i32
      %cond3A_91 = arith.cmpi ne, %convert_element_type3A_89, %cond3A_90 : i32
      scf.if %cond3A_91 {
        %add3A_125 = arith.constant 2 : i32
        %add3A_126 = arith.addi %mul3A_66, %add3A_125 : i32
        %mul3A_127 = arith.constant 64 : i32
        %mul3A_128 = arith.muli %add3A_126, %mul3A_127 : i32
        %add3A_129 = arith.addi %mul3A_2, %mul3A_128 : i32
        %dma_start3A_130 = arith.constant 0 : i32
        %dma_start3A_131 = tpu.memref_slice %arg2[%add3A_129, %dma_start3A_130] : memref<16384x256xf32, #tpu.memory_space<hbm>> -> memref<64x256xf32, #tpu.memory_space<hbm>>
        %dma_start3A_132 = arith.constant 0 : i32
        %dma_start3A_133 = tpu.memref_slice %arg2[%add3A_129, %dma_start3A_132] : memref<16384x256xf32, #tpu.memory_space<hbm>> -> memref<64x256xf32, #tpu.memory_space<hbm>>
        tpu.enqueue_dma source(%dma_start3A_133 : memref<64x256xf32, #tpu.memory_space<hbm>>) target(%arg8 : memref<64x256xf32, #tpu.memory_space<vmem>>) target_semaphore(%arg12 : memref<!tpu.dma_semaphore, #tpu.memory_space<semaphore_mem>>)
      } else {
      }
      %add3A_92 = arith.constant 1 : i32
      %add3A_93 = arith.addi %mul3A_66, %add3A_92 : i32
      %mul3A_94 = arith.constant 64 : i32
      %mul3A_95 = arith.muli %add3A_93, %mul3A_94 : i32
      %add3A_96 = arith.addi %mul3A_2, %mul3A_95 : i32
      %dma_wait3A_97 = arith.constant 0 : i32
      %dma_wait3A_98 = tpu.memref_slice %arg2[%add3A_96, %dma_wait3A_97] : memref<16384x256xf32, #tpu.memory_space<hbm>> -> memref<64x256xf32, #tpu.memory_space<hbm>>
      %dma_wait3A_99 = arith.constant 0 : i32
      %dma_wait3A_100 = tpu.memref_slice %arg2[%add3A_96, %dma_wait3A_99] : memref<16384x256xf32, #tpu.memory_space<hbm>> -> memref<64x256xf32, #tpu.memory_space<hbm>>
      tpu.wait_dma2 semaphore(%arg13 : memref<!tpu.dma_semaphore, #tpu.memory_space<semaphore_mem>>) src(%dma_wait3A_100 : memref<64x256xf32, #tpu.memory_space<hbm>>) dst(%arg9 : memref<64x256xf32, #tpu.memory_space<vmem>>)
      %ge3A_101 = arith.constant 1 : i32
      %ge3A_102 = arith.cmpi sge, %scan3A_64, %ge3A_101 : i32
      %convert_element_type3A_103 = arith.extui %ge3A_102 : i1 to i32
      %cond3A_104 = arith.constant 0 : i32
      %cond3A_105 = arith.cmpi ne, %convert_element_type3A_103, %cond3A_104 : i32
      scf.if %cond3A_105 {
        %sub3A = arith.constant 1 : i32
        %sub3A_125 = arith.subi %mul3A_66, %sub3A : i32
        %mul3A_126 = arith.constant 64 : i32
        %mul3A_127 = arith.muli %sub3A_125, %mul3A_126 : i32
        %add3A_128 = arith.addi %mul3A_2, %mul3A_127 : i32
        %dma_wait3A_129 = arith.constant 0 : i32
        %dma_wait3A_130 = tpu.memref_slice %arg4[%add3A_128, %dma_wait3A_129] : memref<16384x256xf32, #tpu.memory_space<hbm>> -> memref<64x256xf32, #tpu.memory_space<hbm>>
        %dma_wait3A_131 = arith.constant 0 : i32
        %dma_wait3A_132 = tpu.memref_slice %arg4[%add3A_128, %dma_wait3A_131] : memref<16384x256xf32, #tpu.memory_space<hbm>> -> memref<64x256xf32, #tpu.memory_space<hbm>>
        tpu.wait_dma2 semaphore(%arg15 : memref<!tpu.dma_semaphore, #tpu.memory_space<semaphore_mem>>) src(%arg11 : memref<64x256xf32, #tpu.memory_space<vmem>>) dst(%dma_wait3A_132 : memref<64x256xf32, #tpu.memory_space<hbm>>)
      } else {
      }
      %parallel_loop3A_106 = arith.constant 0 : i32
      %parallel_loop3A_107 = arith.constant 64 : i32
      %parallel_loop3A_108 = arith.constant 1 : i32
      scf.for %parallel_loop3A_125 = %parallel_loop3A_106 to %parallel_loop3A_107 step %parallel_loop3A_108  : i32 {
        %parallel_loop3A_126 = vector.broadcast %parallel_loop3A_125 : i32 to vector<16xi32>
        %parallel_loop3A_127 = tpu.vector_load_idx %arg9[%parallel_loop3A_126, %get3A_14] : memref<64x256xf32, #tpu.memory_space<vmem>>[vector<16xi32>, vector<16xi32>], vector<16xf32>,
        %parallel_loop3A_128 = arith.index_cast %parallel_loop3A_125 : i32 to index
        %parallel_loop3A_129 = arith.constant 0 : index
        %parallel_loop3A_130 = tpu.vector_load %arg11[%parallel_loop3A_128, %parallel_loop3A_129] {strides = array<i32>} : memref<64x256xf32, #tpu.memory_space<vmem>>, vector<16xf32>,
        tpu.vector_store %arg11[%parallel_loop3A_128, %parallel_loop3A_129], %parallel_loop3A_127 {strides = array<i32>} : memref<64x256xf32, #tpu.memory_space<vmem>>, vector<16xf32>,
        %parallel_loop3A_131 = tpu.vector_load_idx %arg9[%parallel_loop3A_126, %get3A_16] : memref<64x256xf32, #tpu.memory_space<vmem>>[vector<16xi32>, vector<16xi32>], vector<16xf32>,
        %parallel_loop3A_132 = arith.index_cast %parallel_loop3A_125 : i32 to index
        %parallel_loop3A_133 = arith.constant 16 : index
        %parallel_loop3A_134 = tpu.vector_load %arg11[%parallel_loop3A_132, %parallel_loop3A_133] {strides = array<i32>} : memref<64x256xf32, #tpu.memory_space<vmem>>, vector<16xf32>,
        tpu.vector_store %arg11[%parallel_loop3A_132, %parallel_loop3A_133], %parallel_loop3A_131 {strides = array<i32>} : memref<64x256xf32, #tpu.memory_space<vmem>>, vector<16xf32>,
        %parallel_loop3A_135 = tpu.vector_load_idx %arg9[%parallel_loop3A_126, %get3A_18] : memref<64x256xf32, #tpu.memory_space<vmem>>[vector<16xi32>, vector<16xi32>], vector<16xf32>,
        %parallel_loop3A_136 = arith.index_cast %parallel_loop3A_125 : i32 to index
        %parallel_loop3A_137 = arith.constant 32 : index
        %parallel_loop3A_138 = tpu.vector_load %arg11[%parallel_loop3A_136, %parallel_loop3A_137] {strides = array<i32>} : memref<64x256xf32, #tpu.memory_space<vmem>>, vector<16xf32>,
        tpu.vector_store %arg11[%parallel_loop3A_136, %parallel_loop3A_137], %parallel_loop3A_135 {strides = array<i32>} : memref<64x256xf32, #tpu.memory_space<vmem>>, vector<16xf32>,
        %parallel_loop3A_139 = tpu.vector_load_idx %arg9[%parallel_loop3A_126, %get3A_20] : memref<64x256xf32, #tpu.memory_space<vmem>>[vector<16xi32>, vector<16xi32>], vector<16xf32>,
        %parallel_loop3A_140 = arith.index_cast %parallel_loop3A_125 : i32 to index
        %parallel_loop3A_141 = arith.constant 48 : index
        %parallel_loop3A_142 = tpu.vector_load %arg11[%parallel_loop3A_140, %parallel_loop3A_141] {strides = array<i32>} : memref<64x256xf32, #tpu.memory_space<vmem>>, vector<16xf32>,
        tpu.vector_store %arg11[%parallel_loop3A_140, %parallel_loop3A_141], %parallel_loop3A_139 {strides = array<i32>} : memref<64x256xf32, #tpu.memory_space<vmem>>, vector<16xf32>,
        %parallel_loop3A_143 = tpu.vector_load_idx %arg9[%parallel_loop3A_126, %get3A_22] : memref<64x256xf32, #tpu.memory_space<vmem>>[vector<16xi32>, vector<16xi32>], vector<16xf32>,
        %parallel_loop3A_144 = arith.index_cast %parallel_loop3A_125 : i32 to index
        %parallel_loop3A_145 = arith.constant 64 : index
        %parallel_loop3A_146 = tpu.vector_load %arg11[%parallel_loop3A_144, %parallel_loop3A_145] {strides = array<i32>} : memref<64x256xf32, #tpu.memory_space<vmem>>, vector<16xf32>,
        tpu.vector_store %arg11[%parallel_loop3A_144, %parallel_loop3A_145], %parallel_loop3A_143 {strides = array<i32>} : memref<64x256xf32, #tpu.memory_space<vmem>>, vector<16xf32>,
        %parallel_loop3A_147 = tpu.vector_load_idx %arg9[%parallel_loop3A_126, %get3A_24] : memref<64x256xf32, #tpu.memory_space<vmem>>[vector<16xi32>, vector<16xi32>], vector<16xf32>,
        %parallel_loop3A_148 = arith.index_cast %parallel_loop3A_125 : i32 to index
        %parallel_loop3A_149 = arith.constant 80 : index
        %parallel_loop3A_150 = tpu.vector_load %arg11[%parallel_loop3A_148, %parallel_loop3A_149] {strides = array<i32>} : memref<64x256xf32, #tpu.memory_space<vmem>>, vector<16xf32>,
        tpu.vector_store %arg11[%parallel_loop3A_148, %parallel_loop3A_149], %parallel_loop3A_147 {strides = array<i32>} : memref<64x256xf32, #tpu.memory_space<vmem>>, vector<16xf32>,
        %parallel_loop3A_151 = tpu.vector_load_idx %arg9[%parallel_loop3A_126, %get3A_26] : memref<64x256xf32, #tpu.memory_space<vmem>>[vector<16xi32>, vector<16xi32>], vector<16xf32>,
        %parallel_loop3A_152 = arith.index_cast %parallel_loop3A_125 : i32 to index
        %parallel_loop3A_153 = arith.constant 96 : index
        %parallel_loop3A_154 = tpu.vector_load %arg11[%parallel_loop3A_152, %parallel_loop3A_153] {strides = array<i32>} : memref<64x256xf32, #tpu.memory_space<vmem>>, vector<16xf32>,
        tpu.vector_store %arg11[%parallel_loop3A_152, %parallel_loop3A_153], %parallel_loop3A_151 {strides = array<i32>} : memref<64x256xf32, #tpu.memory_space<vmem>>, vector<16xf32>,
        %parallel_loop3A_155 = tpu.vector_load_idx %arg9[%parallel_loop3A_126, %get3A_28] : memref<64x256xf32, #tpu.memory_space<vmem>>[vector<16xi32>, vector<16xi32>], vector<16xf32>,
        %parallel_loop3A_156 = arith.index_cast %parallel_loop3A_125 : i32 to index
        %parallel_loop3A_157 = arith.constant 112 : index
        %parallel_loop3A_158 = tpu.vector_load %arg11[%parallel_loop3A_156, %parallel_loop3A_157] {strides = array<i32>} : memref<64x256xf32, #tpu.memory_space<vmem>>, vector<16xf32>,
        tpu.vector_store %arg11[%parallel_loop3A_156, %parallel_loop3A_157], %parallel_loop3A_155 {strides = array<i32>} : memref<64x256xf32, #tpu.memory_space<vmem>>, vector<16xf32>,
        %parallel_loop3A_159 = tpu.vector_load_idx %arg9[%parallel_loop3A_126, %get3A_30] : memref<64x256xf32, #tpu.memory_space<vmem>>[vector<16xi32>, vector<16xi32>], vector<16xf32>,
        %parallel_loop3A_160 = arith.index_cast %parallel_loop3A_125 : i32 to index
        %parallel_loop3A_161 = arith.constant 128 : index
        %parallel_loop3A_162 = tpu.vector_load %arg11[%parallel_loop3A_160, %parallel_loop3A_161] {strides = array<i32>} : memref<64x256xf32, #tpu.memory_space<vmem>>, vector<16xf32>,
        tpu.vector_store %arg11[%parallel_loop3A_160, %parallel_loop3A_161], %parallel_loop3A_159 {strides = array<i32>} : memref<64x256xf32, #tpu.memory_space<vmem>>, vector<16xf32>,
        %parallel_loop3A_163 = tpu.vector_load_idx %arg9[%parallel_loop3A_126, %get3A_32] : memref<64x256xf32, #tpu.memory_space<vmem>>[vector<16xi32>, vector<16xi32>], vector<16xf32>,
        %parallel_loop3A_164 = arith.index_cast %parallel_loop3A_125 : i32 to index
        %parallel_loop3A_165 = arith.constant 144 : index
        %parallel_loop3A_166 = tpu.vector_load %arg11[%parallel_loop3A_164, %parallel_loop3A_165] {strides = array<i32>} : memref<64x256xf32, #tpu.memory_space<vmem>>, vector<16xf32>,
        tpu.vector_store %arg11[%parallel_loop3A_164, %parallel_loop3A_165], %parallel_loop3A_163 {strides = array<i32>} : memref<64x256xf32, #tpu.memory_space<vmem>>, vector<16xf32>,
        %parallel_loop3A_167 = tpu.vector_load_idx %arg9[%parallel_loop3A_126, %get3A_34] : memref<64x256xf32, #tpu.memory_space<vmem>>[vector<16xi32>, vector<16xi32>], vector<16xf32>,
        %parallel_loop3A_168 = arith.index_cast %parallel_loop3A_125 : i32 to index
        %parallel_loop3A_169 = arith.constant 160 : index
        %parallel_loop3A_170 = tpu.vector_load %arg11[%parallel_loop3A_168, %parallel_loop3A_169] {strides = array<i32>} : memref<64x256xf32, #tpu.memory_space<vmem>>, vector<16xf32>,
        tpu.vector_store %arg11[%parallel_loop3A_168, %parallel_loop3A_169], %parallel_loop3A_167 {strides = array<i32>} : memref<64x256xf32, #tpu.memory_space<vmem>>, vector<16xf32>,
        %parallel_loop3A_171 = tpu.vector_load_idx %arg9[%parallel_loop3A_126, %get3A_36] : memref<64x256xf32, #tpu.memory_space<vmem>>[vector<16xi32>, vector<16xi32>], vector<16xf32>,
        %parallel_loop3A_172 = arith.index_cast %parallel_loop3A_125 : i32 to index
        %parallel_loop3A_173 = arith.constant 176 : index
        %parallel_loop3A_174 = tpu.vector_load %arg11[%parallel_loop3A_172, %parallel_loop3A_173] {strides = array<i32>} : memref<64x256xf32, #tpu.memory_space<vmem>>, vector<16xf32>,
        tpu.vector_store %arg11[%parallel_loop3A_172, %parallel_loop3A_173], %parallel_loop3A_171 {strides = array<i32>} : memref<64x256xf32, #tpu.memory_space<vmem>>, vector<16xf32>,
        %parallel_loop3A_175 = tpu.vector_load_idx %arg9[%parallel_loop3A_126, %get3A_38] : memref<64x256xf32, #tpu.memory_space<vmem>>[vector<16xi32>, vector<16xi32>], vector<16xf32>,
        %parallel_loop3A_176 = arith.index_cast %parallel_loop3A_125 : i32 to index
        %parallel_loop3A_177 = arith.constant 192 : index
        %parallel_loop3A_178 = tpu.vector_load %arg11[%parallel_loop3A_176, %parallel_loop3A_177] {strides = array<i32>} : memref<64x256xf32, #tpu.memory_space<vmem>>, vector<16xf32>,
        tpu.vector_store %arg11[%parallel_loop3A_176, %parallel_loop3A_177], %parallel_loop3A_175 {strides = array<i32>} : memref<64x256xf32, #tpu.memory_space<vmem>>, vector<16xf32>,
        %parallel_loop3A_179 = tpu.vector_load_idx %arg9[%parallel_loop3A_126, %get3A_40] : memref<64x256xf32, #tpu.memory_space<vmem>>[vector<16xi32>, vector<16xi32>], vector<16xf32>,
        %parallel_loop3A_180 = arith.index_cast %parallel_loop3A_125 : i32 to index
        %parallel_loop3A_181 = arith.constant 208 : index
        %parallel_loop3A_182 = tpu.vector_load %arg11[%parallel_loop3A_180, %parallel_loop3A_181] {strides = array<i32>} : memref<64x256xf32, #tpu.memory_space<vmem>>, vector<16xf32>,
        tpu.vector_store %arg11[%parallel_loop3A_180, %parallel_loop3A_181], %parallel_loop3A_179 {strides = array<i32>} : memref<64x256xf32, #tpu.memory_space<vmem>>, vector<16xf32>,
        %parallel_loop3A_183 = tpu.vector_load_idx %arg9[%parallel_loop3A_126, %get3A_42] : memref<64x256xf32, #tpu.memory_space<vmem>>[vector<16xi32>, vector<16xi32>], vector<16xf32>,
        %parallel_loop3A_184 = arith.index_cast %parallel_loop3A_125 : i32 to index
        %parallel_loop3A_185 = arith.constant 224 : index
        %parallel_loop3A_186 = tpu.vector_load %arg11[%parallel_loop3A_184, %parallel_loop3A_185] {strides = array<i32>} : memref<64x256xf32, #tpu.memory_space<vmem>>, vector<16xf32>,
        tpu.vector_store %arg11[%parallel_loop3A_184, %parallel_loop3A_185], %parallel_loop3A_183 {strides = array<i32>} : memref<64x256xf32, #tpu.memory_space<vmem>>, vector<16xf32>,
        %parallel_loop3A_187 = tpu.vector_load_idx %arg9[%parallel_loop3A_126, %get3A_44] : memref<64x256xf32, #tpu.memory_space<vmem>>[vector<16xi32>, vector<16xi32>], vector<16xf32>,
        %parallel_loop3A_188 = arith.index_cast %parallel_loop3A_125 : i32 to index
        %parallel_loop3A_189 = arith.constant 240 : index
        %parallel_loop3A_190 = tpu.vector_load %arg11[%parallel_loop3A_188, %parallel_loop3A_189] {strides = array<i32>} : memref<64x256xf32, #tpu.memory_space<vmem>>, vector<16xf32>,
        tpu.vector_store %arg11[%parallel_loop3A_188, %parallel_loop3A_189], %parallel_loop3A_187 {strides = array<i32>} : memref<64x256xf32, #tpu.memory_space<vmem>>, vector<16xf32>,
      } {sc.loop_unroll_factor = 1 : i64, sc.parallel_access}
      %add3A_109 = arith.constant 1 : i32
      %add3A_110 = arith.addi %mul3A_66, %add3A_109 : i32
      %mul3A_111 = arith.constant 64 : i32
      %mul3A_112 = arith.muli %add3A_110, %mul3A_111 : i32
      %add3A_113 = arith.addi %mul3A_2, %mul3A_112 : i32
      %dma_start3A_114 = arith.constant 0 : i32
      %dma_start3A_115 = tpu.memref_slice %arg4[%add3A_113, %dma_start3A_114] : memref<16384x256xf32, #tpu.memory_space<hbm>> -> memref<64x256xf32, #tpu.memory_space<hbm>>
      %dma_start3A_116 = arith.constant 0 : i32
      %dma_start3A_117 = tpu.memref_slice %arg4[%add3A_113, %dma_start3A_116] : memref<16384x256xf32, #tpu.memory_space<hbm>> -> memref<64x256xf32, #tpu.memory_space<hbm>>
      tpu.enqueue_dma source(%arg11 : memref<64x256xf32, #tpu.memory_space<vmem>>) target(%dma_start3A_117 : memref<64x256xf32, #tpu.memory_space<hbm>>) target_semaphore(%arg15 : memref<!tpu.dma_semaphore, #tpu.memory_space<semaphore_mem>>)
      %add3A_118 = arith.constant 1 : i32
      %add3A_119 = arith.addi %scan3A_64, %add3A_118 : i32
      %lt3A_120 = arith.constant 4 : i32
      %lt3A_121 = arith.cmpi slt, %add3A_119, %lt3A_120 : i32
      %convert_element_type3A_122 = arith.extui %lt3A_121 : i1 to i32
      %cond3A_123 = arith.constant 0 : i32
      %cond3A_124 = arith.cmpi ne, %convert_element_type3A_122, %cond3A_123 : i32
      scf.if %cond3A_124 {
        %add3A_125 = arith.constant 3 : i32
        %add3A_126 = arith.addi %mul3A_66, %add3A_125 : i32
        %mul3A_127 = arith.constant 64 : i32
        %mul3A_128 = arith.muli %add3A_126, %mul3A_127 : i32
        %add3A_129 = arith.addi %mul3A_2, %mul3A_128 : i32
        %dma_start3A_130 = arith.constant 0 : i32
        %dma_start3A_131 = tpu.memref_slice %arg2[%add3A_129, %dma_start3A_130] : memref<16384x256xf32, #tpu.memory_space<hbm>> -> memref<64x256xf32, #tpu.memory_space<hbm>>
        %dma_start3A_132 = arith.constant 0 : i32
        %dma_start3A_133 = tpu.memref_slice %arg2[%add3A_129, %dma_start3A_132] : memref<16384x256xf32, #tpu.memory_space<hbm>> -> memref<64x256xf32, #tpu.memory_space<hbm>>
        tpu.enqueue_dma source(%dma_start3A_133 : memref<64x256xf32, #tpu.memory_space<hbm>>) target(%arg9 : memref<64x256xf32, #tpu.memory_space<vmem>>) target_semaphore(%arg13 : memref<!tpu.dma_semaphore, #tpu.memory_space<semaphore_mem>>)
      } else {
      }
    }
    %scan3A_52 = arith.constant 4 : i32
    %add3A_53 = arith.constant 384 : i32
    %add3A_54 = arith.addi %mul3A_2, %add3A_53 : i32
    %dma_wait3A = arith.constant 0 : i32
    %dma_wait3A_55 = tpu.memref_slice %arg4[%add3A_54, %dma_wait3A] : memref<16384x256xf32, #tpu.memory_space<hbm>> -> memref<64x256xf32, #tpu.memory_space<hbm>>
    %dma_wait3A_56 = arith.constant 0 : i32
    %dma_wait3A_57 = tpu.memref_slice %arg4[%add3A_54, %dma_wait3A_56] : memref<16384x256xf32, #tpu.memory_space<hbm>> -> memref<64x256xf32, #tpu.memory_space<hbm>>
    tpu.wait_dma2 semaphore(%arg14 : memref<!tpu.dma_semaphore, #tpu.memory_space<semaphore_mem>>) src(%arg10 : memref<64x256xf32, #tpu.memory_space<vmem>>) dst(%dma_wait3A_57 : memref<64x256xf32, #tpu.memory_space<hbm>>)
    %add3A_58 = arith.constant 448 : i32
    %add3A_59 = arith.addi %mul3A_2, %add3A_58 : i32
    %dma_wait3A_60 = arith.constant 0 : i32
    %dma_wait3A_61 = tpu.memref_slice %arg4[%add3A_59, %dma_wait3A_60] : memref<16384x256xf32, #tpu.memory_space<hbm>> -> memref<64x256xf32, #tpu.memory_space<hbm>>
    %dma_wait3A_62 = arith.constant 0 : i32
    %dma_wait3A_63 = tpu.memref_slice %arg4[%add3A_59, %dma_wait3A_62] : memref<16384x256xf32, #tpu.memory_space<hbm>> -> memref<64x256xf32, #tpu.memory_space<hbm>>
    tpu.wait_dma2 semaphore(%arg15 : memref<!tpu.dma_semaphore, #tpu.memory_space<semaphore_mem>>) src(%arg11 : memref<64x256xf32, #tpu.memory_space<vmem>>) dst(%dma_wait3A_63 : memref<64x256xf32, #tpu.memory_space<hbm>>)
    return
  }
}

</mosaic_0001>

<sc_bundles>
// kernel: kernel.3.cloned.1.call-start
scs
__scs_entry_jumppad:
0x0: {  	(pc) =	sbr.rel $0x88, $3  }
0x1: {  	(tag) =	ssettag $0x0;
	lr =	simm.s32 $0x1  }
0x2: {  	[smem:$0x3F9F] =	sst lr;
	_ =	strace $0xD0000000  }
0x3: {  	_ = 	snop  }
0x4: {  	_ = 	snop  }
0x5: {  	_ = 	snop  }
0x6: {  	_ = 	snop  }
0x7: {  	_ = 	snop  }
__scs_overlays_trampoline_lowered:
0x8: {  	[smem:$0x3FAE] =	sst s0  }
0x9: {  	[smem:$0x3FAF] =	sst s1  }
0xa: {  	[smem:$0x3FB0] =	sst s2  }
0xb: {  	[smem:$0x3FB1] =	sst s3  }
0xc: {  	[smem:$0x3FB2] =	sst s4  }
0xd: {  	[smem:$0x3FB3] =	sst s5  }
0xe: {  	[smem:$0x3FB4] =	sst s6  }
0xf: {  	[smem:$0x3FB5] =	sst s7  }
0x10: {  	[smem:$0x3FB6] =	sst s8  }
0x11: {  	[smem:$0x3FB7] =	sst s9;
	s0 =	simm.s32 @!p0 $0x0  }
0x12: {  	s1 =	sld [smem:$0x3F9D];
	s0 =	simm.s32 @p0 $0x1  }
0x13: {  	[smem:$0x3FB8] =	sst s0;
	s0 =	simm.s32 @!p1 $0x0  }
0x14: {  	s2 =	sld [smem:$0x3F9C];
	s0 =	simm.s32 @p1 $0x1  }
0x15: {  	[smem:$0x3FB9] =	sst s0;
	s0 =	simm.s32 @!p2 $0x0  }
0x16: {  	s3 =	sld [smem:$0x3FDB];
	s0 =	simm.s32 @p2 $0x1  }
0x17: {  	s4 =	simm.s32 $0x1BF5;
	[smem:$0x3FBB] =	sst s0  }
0x18: {  	s0 =	sld [smem:$0x3F9E];
	_ =	swait.ge [sflag:s4], $0x0  }
0x19: {  	s7 =	sld [smem:$0x3F9F]  }
0x1a: {  	s8 =	sadd.s32 $0xFFFFE003, lr  }
0x1b: {  	s9 =	sadd.s32 $0xFFFFFEF7, lr;
	s5 =	simm.s32 $0xFFFFFFFF;
	p2 =	slt.u32 s8, $0xFFFFF086  }
0x1c: {  	p1 =	slt.u32 s9, $0xF7A;
	s5 =	simm.s32 @!p2 $0x0  }
0x1d: {  	s5 =	simm.s32 @p1 $0x1;
	p0 =	seq.s32 s7, s2  }
0x1e: {  	s7 =	smul.u32 @!p0 $0xF7A, s2;
	p2 =	seq.s32 @!p0 s5, $0x0  }
0x1f: {  	s9 =	smul.u32 $0xF7A, s1;
	s8 =	simm.s32 @!p0 $0x1BF5;
	p2 =	por !p2, p0  }
0x20: {  	[sflag:s8] =	ssyncset.s32 @!p0 $0xFFFFF086;
	s6 =	sadd.s32 @!p0 s3, s7;
	s7 =	simm.s32 @!p0 $0x108  }
0x21: {  	s3 =	sadd.s32 s3, s9;
	s6 =	sadd.s32 @!p0 $0x88, s6;
	s7 =	simm.s32 @p2 $0x1082  }
0x22: {  	[simem:s7], [sflag:s8] =	dma.local @!p0 [hbm:s6], $0xF7A  }
0x23: {  	s9 =	sor.u32 $0xD0000000, s2;
	s6 =	simm.s32 $0x108;
	_ =	swait.ge @!p0 [sflag:s8], $0x0  }
0x24: {  	s3 =	sadd.s32 $0x88, s3;
	s6 =	simm.s32 @!p1 $0x1082;
	[sflag:s4] =	ssyncset.s32 $0xFFFFF086  }
0x25: {  	[simem:s6], [sflag:s4] =	dma.local [hbm:s3], $0xF7A  }
0x26: {  	[smem:$0x3F9F] =	sst s1;
	(tag) =	ssettag s2;
	_ =	strace s9  }
0x27: {  	s1 =	sld [smem:$0x3FAF]  }
0x28: {  	s2 =	sld [smem:$0x3FB0]  }
0x29: {  	s4 =	sld [smem:$0x3FB2]  }
0x2a: {  	p0 =	seq.s32 s5, $0x0;
	s5 =	sld [smem:$0x3FB3]  }
0x2b: {  	s6 =	sld [smem:$0x3FB4]  }
0x2c: {  	s7 =	sld [smem:$0x3FB5]  }
0x2d: {  	s3 =	simm.s32 $0x108;
	s8 =	sld [smem:$0x3FB6]  }
0x2e: {  	s3 =	simm.s32 @!p0 $0x1082;
	s9 =	sld [smem:$0x3FB7]  }
0x2f: {  	lr =	sadd.s32 s0, s3;
	s0 =	sld [smem:$0x3FAE]  }
0x30: {  	s3 =	sld [smem:$0x3FB1]  }
0x31: {  	[smem:$0x3FBA] =	sst s10  }
0x32: {  	s10 =	sld [smem:$0x3FB8];
	_ =	sdelay $0x3  }
0x33: {  	p0 =	seq.s32 s10, $0x1;
	s10 =	sld [smem:$0x3FBA];
	_ =	sdelay $0x3  }
0x34: {  	[smem:$0x3FBA] =	sst s10  }
0x35: {  	s10 =	sld [smem:$0x3FB9];
	_ =	sdelay $0x3  }
0x36: {  	p1 =	seq.s32 s10, $0x1;
	s10 =	sld [smem:$0x3FBA];
	_ =	sdelay $0x3  }
0x37: {  	[smem:$0x3FBA] =	sst s10  }
0x38: {  	s10 =	sld [smem:$0x3FBB]  }
0x39: {  	_ = 	snop;
	(pc) =	sbr.ind lr, $3  }
0x3a: {  	_ = 	snop  }
0x3b: {  	_ = 	snop  }
0x3c: {  	p2 =	seq.s32 s10, $0x1;
	s10 =	sld [smem:$0x3FBA]  }
0x3d: {  	_ =	shalt  }
0x3e: {  	_ =	shalt  }
0x3f: {  	_ =	shalt  }
0x40: {  	_ =	shalt  }
0x41: {  	_ =	shalt  }
0x42: {  	_ =	shalt  }
0x43: {  	_ =	shalt  }
0x44: {  	_ =	shalt  }
0x45: {  	_ =	shalt  }
0x46: {  	_ =	shalt  }
0x47: {  	_ =	shalt  }
0x48: {  	_ =	shalt  }
0x49: {  	_ =	shalt  }
0x4a: {  	_ =	shalt  }
0x4b: {  	_ =	shalt  }
0x4c: {  	_ =	shalt  }
0x4d: {  	_ =	shalt  }
0x4e: {  	_ =	shalt  }
0x4f: {  	_ =	shalt  }
0x50: {  	_ =	shalt  }
0x51: {  	_ =	shalt  }
0x52: {  	_ =	shalt  }
0x53: {  	_ =	shalt  }
0x54: {  	_ =	shalt  }
0x55: {  	_ =	shalt  }
0x56: {  	_ =	shalt  }
0x57: {  	_ =	shalt  }
0x58: {  	_ =	shalt  }
0x59: {  	_ =	shalt  }
0x5a: {  	_ =	shalt  }
0x5b: {  	_ =	shalt  }
0x5c: {  	_ =	shalt  }
0x5d: {  	_ =	shalt  }
0x5e: {  	_ =	shalt  }
0x5f: {  	_ =	shalt  }
0x60: {  	_ =	shalt  }
0x61: {  	_ =	shalt  }
0x62: {  	_ =	shalt  }
0x63: {  	_ =	shalt  }
0x64: {  	_ =	shalt  }
0x65: {  	_ =	shalt  }
0x66: {  	_ =	shalt  }
0x67: {  	_ =	shalt  }
0x68: {  	_ =	shalt  }
0x69: {  	_ =	shalt  }
0x6a: {  	_ =	shalt  }
0x6b: {  	_ =	shalt  }
0x6c: {  	_ =	shalt  }
0x6d: {  	_ =	shalt  }
0x6e: {  	_ =	shalt  }
0x6f: {  	_ =	shalt  }
0x70: {  	_ =	shalt  }
0x71: {  	_ =	shalt  }
0x72: {  	_ =	shalt  }
0x73: {  	_ =	shalt  }
0x74: {  	_ =	shalt  }
0x75: {  	_ =	shalt  }
0x76: {  	_ =	shalt  }
0x77: {  	_ =	shalt  }
0x78: {  	_ =	shalt  }
0x79: {  	_ =	shalt  }
0x7a: {  	_ =	shalt  }
0x7b: {  	_ =	shalt  }
0x7c: {  	_ =	shalt  }
0x7d: {  	_ =	shalt  }
0x7e: {  	_ =	shalt  }
0x7f: {  	_ =	shalt  }
0x80: {  	_ =	shalt  }
0x81: {  	_ =	shalt  }
0x82: {  	_ =	shalt  }
0x83: {  	_ =	shalt  }
0x84: {  	_ =	shalt  }
0x85: {  	_ =	shalt  }
0x86: {  	_ =	shalt  }
0x87: {  	_ =	shalt  }
.Lfunc_end0:
.L_simem_size_0:
called_computation_lowered:
.L_overlay_start_0:
0x88: {  	s2 =	sld [smem:$0x3FD9]  }
0x89: {  	s3 =	sld [smem:$0x3FFE];
	_ =	sdelay $0x1  }
0x8a: {  	s1 =	srdreg.scid  }
0x8b: {  	s0 =	sand.u32 $0x1, s1  }
0x8c: {  	s15 =	sshll.u32 s0, $0xA;
	s2 =	sadd.s32 s3, s2  }
0x8d: {  	s2 =	sadd.s32 s2, s15  }
0x8e: {  	[smem:$0x3FC6] =	sst s2  }
0x8f: {  	_ = 	snop  }
0x90: {  	s2 =	sld [smem:$0x3FD0];
	_ =	sdelay $0x1  }
0x91: {  	s16 =	sld [smem:$0x3FC9]  }
0x92: {  	s5 =	simm.s32 $0xA;
	s6 =	simm.s32 $0x10;
	s4 =	sld [smem:$0x3FC8]  }
0x93: {  	[smem:s6], [sflag:s5] =	dma.local [hbm:s2], $0x1  }
0x94: {  	_ =	swait.eq [sflag:s5], $0x1  }
0x95: {  	[sflag:s5] =	ssyncset.done $0x0  }
0x96: {  	s17 =	sld [smem:$0x10];
	[sflag:s5] =	ssyncadd.s32 $0xFFFFFFFF  }
0x97: {  	s18 =	sld [smem:$0x11];
	(tm) =	ssettm $0x1  }
0x98: {  	s19 =	sld [smem:$0x3FFB];
	_ =	sdelay $0x3  }
0x99: {  	_ =	strace s19  }
0x9a: {  	s6 =	sld [smem:$0x3FFC];
	_ =	sdelay $0x3  }
0x9b: {  	_ =	strace s6  }
0x9c: {  	s6 =	sld [smem:$0x3FFD];
	_ =	sdelay $0x3  }
0x9d: {  	_ =	strace s6  }
0x9e: {  	_ =	strace $0x8FFFFFFF  }
0x9f: {  	s20 =	sld [smem:$0x3FDB];
	_ =	sdelay $0x1  }
0xa0: {  	s7 =	simm.s32 $_scs_section_size  }
0xa1: {  	s8 =	simm.s32 $_size__tile_overlayer_lowered;
	s9 =	simm.s32 $_tile_overlayer_lowered  }
0xa2: {  	s23 =	simm.s32 $0x1BFF;
	s22 =	sshll.u32 s9, $0x1;
	s6 =	sadd.s32 s7, s20  }
0xa3: {  	s10 =	simm.s32 $0x0;
	s21 =	sshll.u32 s8, $0x1;
	s8 =	sadd.s32 s22, s6  }
0xa4: {  	[timem:s10], [sflag:s23] =	dma.local [hbm:s8], s21  }
0xa5: {  	_ =	swait.ge [sflag:s23], s21  }
0xa6: {  	s7 =	ssub.s32 $0x0, s21;
	[sflag:s23] =	ssyncset.done $0x0  }
0xa7: {  	[sflag:s23] =	ssyncadd.s32 s7;
	_ =	sdelay $0x1  }
0xa8: {  	s24 =	simm.s32 $0x1B8B  }
0xa9: {  	_ =	swait.ge [sflag:s24], $0x1  }
0xaa: {  	[sflag:s24] =	ssyncset.done $0x0  }
0xab: {  	s25 =	simm.s32 $0x1B8E;
	[sflag:s24] =	ssyncadd.s32 $0xFFFFFFFF  }
0xac: {  	s26 =	simm.s32 $execute0_lowered;
	[smem:$0x3FD2] =	sst s25  }
0xad: {  	s7 =	sshll.u32 s26, $0x1;
	_ =	strace $0x80000046;
	[dreg:$0x1] =	wrdreg $0xFFFFFFFF  }
0xae: {  	s28 =	simm.s32 $_size_execute0_lowered;
	s6 =	sadd.s32 s6, s7;
	[dreg:$0x0] =	wrdreg $0x0  }
0xaf: {  	s7 =	sshll.u32 s28, $0x1;
	[dreg:$0x2] =	wrdreg s6  }
0xb0: {  	[dreg:$0x3] =	wrdreg s7  }
0xb1: {  	[dreg:$0x4] =	wrdreg $0xC0  }
0xb2: {  	_ =	task [dreg:s10], $0x5FFFF  }
0xb3: {  	[dreg:$0x1] =	wrdreg $0xFFFFFFFF  }
0xb4: {  	[dreg:$0x0] =	wrdreg $0x60  }
0xb5: {  	[dreg:$0x2] =	wrdreg s16  }
0xb6: {  	[dreg:$0x3] =	wrdreg s4  }
0xb7: {  	[dreg:$0x4] =	wrdreg s17  }
0xb8: {  	[dreg:$0x5] =	wrdreg s18  }
0xb9: {  	[dreg:$0x6] =	wrdreg $0x9  }
0xba: {  	_ =	task.clear_ibuf [dreg:s10], $0x7FFFF;
	_ =	strace $0x90000046  }
0xbb: {  	s29 =	simm.s32 $0x9;
	_ =	strace $0x80000048  }
0xbc: {  	_ =	swait.ge [sflag:s29], $0x1  }
0xbd: {  	[sflag:s29] =	ssyncadd.s32 $0xFFFFFFFF  }
0xbe: {  	_ =	strace $0x90000048  }
0xbf: {  	_ =	sfence  }
0xc0: {  	s30 =	sld [smem:$0x0];
	_ =	sdelay $0x2  }
0xc1: {  	s31 =	sshll.u32 s1, $0xD;
	s1 =	sshrl.u32 s1, $0x2  }
0xc2: {  	s3 =	sand.u32 $0x4000, s31;
	s1 =	sadd.s32 s1, s30  }
0xc3: {  	s0 =	sor.u32 s3, s0;
	s1 =	sshll.u32 s1, $0x11  }
0xc4: {  	s0 =	sor.u32 s1, s0  }
0xc5: {  	s0 =	sadd.s32 $0x8F2B, s0  }
0xc6: {  	[sflag:s0] =	ssyncadd.remote.s32 $0x1  }
0xc7: {  	_ =	sfence.sel $0xFFFF  }
0xc8: {  	[dreg:$0x0] =	wrdreg $0xFFFFFFFF;
	(pc) =	sbr.abs _section_cstart, $3  }
0xc9: {  	[dreg:$0x1] =	wrdreg $0xFFFFFFFF  }
0xca: {  	_ =	task.clear_ibuf [dreg:s10], $0x2FFFF;
	_ =	strace $0x9FFFFFFF  }
0xcb: {  	(tm) =	ssettm $0x7FFFFFFF  }
tec
execute0_lowered:
.L_overlay_start_1:
0x0: {  	(tag) =	ssettag $0x1  }
0x1: {  	s1 =	rddreg [dreg:$0x0]  }
0x2: {  	s4 =	rddreg [dreg:$0x2]  }
0x3: {  	s0 =	rddreg [dreg:$0x3]  }
0x4: {  	s2 =	srdreg.scid;
	s3 =	stileid.u32  }
0x5: {  	s5 =	simm.s32 $0x0;
	s14 =	simm.s32 $0x300;
	s15 =	simm.s32 $0x4300  }
0x6: {  	s16 =	simm.s32 $0x5;
	s18 =	simm.s32 $0x1;
	s19 =	simm.s32 $0x8300  }
0x7: {  	s20 =	simm.s32 $0x2;
	s21 =	simm.s32 $0xC300;
	s2 =	sand.u32 $0x1, s2  }
0x8: {  	s23 =	simm.s32 $0x4;
	s3 =	sshll.u32 s3, $0xA;
	s6 =	sshll.u32 s2, $0x9  }
0x9: {  	s24 =	simm.s32 $0x0;
	[smem:$0x7FF] =	sst s5;
	s6 =	sor.u32 s6, s3  }
0xa: {  	_ =	strace $0x80000047;
	s2 =	ssub.s32 $0x2, s2;
	s3 =	sshll.u32 s6, $0x5  }
0xb: {  	s7 =	sshrl.u32 s2, $0x1;
	s8 =	sshrl.u32 s6, $0x3;
	s9 =	sadd.s32 s1, s3  }
0xc: {  	s2 =	ssub.s32 s2, s7;
	s0 =	sadd.s32 s0, s8;
	[dreg:$0x5] =	wrdreg s9  }
0xd: {  	s25 =	simm.s32 $0x0;
	s31 =	smax.u32 s2, $0x1;
	[dreg:$0x7] =	wrdreg s0  }
0xe: {  	s11 =	sor.u32 $0x80, s6;
	s30 =	sadd.s32 $0x800, s9;
	[dreg:$0x8] =	wrdreg s31  }
0xf: {  	v0 =	vimm.f32 $0.0e+00;
	s12 =	sor.u32 $0xC0, s6;
	s10 =	sadd.s32 s4, s3;
	[dreg:$0x6] =	wrdreg s30  }
.LBB2_1:
0x10: {  	s0 =	rddreg [dreg:$0x5]  }
0x11: {  	[tilespmem:s14], [sflag:$0x1] =	stream.linear.gather [hbm4b:s0+s5], $0x4000, $0x38;
	[tilespmem:$0x10300] =	vst v63  }
0x12: {  	s30 =	rddreg [dreg:$0x6]  }
0x13: {  	[tilespmem:s15], [sflag:$0x2] =	stream.linear.gather [hbm4b:s30+s5], $0x4000, $0x38;
	[tilespmem:$0x10300] =	vst v63  }
0x14: {  	s31 =	rddreg [dreg:$0x1]  }
0x15: {  	[tilespmem:s5], [sflag:$0x5] =	stream.linear.gather [hbm4b:s31+s5], $0x100, $0x38;
	[tilespmem:$0x10300] =	vst v63  }
0x16: {  	_ =	swait.ge [sflag:s16], $0x100  }
0x17: {  	[sflag:s16] =	ssyncset.done $0x0  }
0x18: {  	[sflag:s16] =	ssyncadd.s32 $0xFFFFFF00  }
0x19: {  	v1 =	vld [tilespmem:$0x0]  }
0x1a: {  	v4 =	vld [tilespmem:$0x10]  }
0x1b: {  	v3 =	vld [tilespmem:$0x20]  }
0x1c: {  	v2 =	vld [tilespmem:$0x30]  }
0x1d: {  	v6 =	vld [tilespmem:$0x40]  }
0x1e: {  	v5 =	vld [tilespmem:$0x50]  }
0x1f: {  	v7 =	vld [tilespmem:$0x60]  }
0x20: {  	v10 =	vld [tilespmem:$0x70]  }
0x21: {  	v9 =	vld [tilespmem:$0x80]  }
0x22: {  	v8 =	vld [tilespmem:$0x90]  }
0x23: {  	v12 =	vld [tilespmem:$0xA0]  }
0x24: {  	v11 =	vld [tilespmem:$0xB0]  }
0x25: {  	v13 =	vld [tilespmem:$0xC0]  }
0x26: {  	v16 =	vld [tilespmem:$0xD0]  }
0x27: {  	v15 =	vld [tilespmem:$0xE0]  }
0x28: {  	s2 =	simm.s32 $0x40;
	s0 =	simm.s32 $0x0;
	v14 =	vld [tilespmem:$0xF0]  }
.LBB2_2:
0x29: {  	p0 =	sne.s32 s2, $0x7C0;
	[tilespmem:s0+$0x100] =	vst v0;
	s0 =	smov.u32 s2;
	s2 =	sadd.s32 $0x40, s2  }
.Ltmp0:
0x2a: {  	(pc) =	sbr.rel @p0 .LBB2_2-.Ltmp0, $2  }
0x2b: {  	_ =	sdelay $0x2  }
0x2c: {  	s0 =	sshra.s32 s0, $0x2  }
0x2d: {  	v17 =	vshll.u32 v1, $0x3  }
0x2e: {  	v1 =	vand.u32 $0x7F, v1;
	v18 =	vshll.u32 v4, $0x3;
	v4 =	vand.u32 $0x7F, v4  }
0x2f: {  	v19 =	vshll.u32 v2, $0x3;
	v20 =	vand.u32 $0x7F, v2;
	v17 =	vand.u32 $0xFFFFFC00, v17  }
0x30: {  	v62 =	vand.u32 $0x7F, v8;
	v63 =	vand.u32 $0x7F, v14;
	v1 =	vor.u32 v1, v17  }
0x31: {  	v17 =	vand.u32 $0xFFFFFC00, v18;
	v18 =	vand.u32 $0x7F, v3;
	v3 =	vshll.u32 v3, $0x3  }
0x32: {  	v19 =	vand.u32 $0xFFFFFC00, v19;
	v3 =	vand.u32 $0xFFFFFC00, v3;
	v2 =	vor.u32 v4, v17  }
0x33: {  	v4 =	vor.u32 v20, v19;
	v17 =	vand.u32 $0x7F, v6;
	v6 =	vshll.u32 v6, $0x3  }
0x34: {  	v3 =	vor.u32 v18, v3;
	v18 =	vshll.u32 v5, $0x3;
	v6 =	vand.u32 $0xFFFFFC00, v6  }
0x35: {  	v19 =	vand.u32 $0x7F, v5;
	v18 =	vand.u32 $0xFFFFFC00, v18;
	v5 =	vor.u32 v17, v6  }
0x36: {  	v17 =	vshll.u32 v7, $0x3;
	v7 =	vand.u32 $0x7F, v7;
	v6 =	vor.u32 v19, v18  }
0x37: {  	v17 =	vand.u32 $0xFFFFFC00, v17;
	v18 =	vshll.u32 v10, $0x3;
	v10 =	vand.u32 $0x7F, v10  }
0x38: {  	v19 =	vshll.u32 v8, $0x3;
	v7 =	vor.u32 v7, v17;
	v17 =	vand.u32 $0xFFFFFC00, v18  }
0x39: {  	v18 =	vand.u32 $0x7F, v9;
	v9 =	vshll.u32 v9, $0x3;
	v19 =	vand.u32 $0xFFFFFC00, v19  }
0x3a: {  	v9 =	vand.u32 $0xFFFFFC00, v9;
	v8 =	vor.u32 v10, v17;
	v10 =	vor.u32 v62, v19  }
0x3b: {  	v17 =	vand.u32 $0x7F, v12;
	v12 =	vshll.u32 v12, $0x3;
	v19 =	vand.u32 $0x7F, v11  }
0x3c: {  	v9 =	vor.u32 v18, v9;
	v18 =	vshll.u32 v11, $0x3;
	v12 =	vand.u32 $0xFFFFFC00, v12  }
0x3d: {  	[tilespmem:s0+$0x100] =	vst v0;
	v18 =	vand.u32 $0xFFFFFC00, v18;
	v11 =	vor.u32 v17, v12;
	v17 =	vshll.u32 v13, $0x3  }
0x3e: {  	s2 =	simm.s32 $0x100;
	s0 =	rddreg [dreg:$0x7];
	v13 =	vand.u32 $0x7F, v13;
	v12 =	vor.u32 v19, v18;
	v17 =	vand.u32 $0xFFFFFC00, v17  }
0x3f: {  	[hbm4b:s0+s25] =	stream.linear.scatter [tilespmem:s2], [sflag:$0x5], $0x200, $0x38;
	v18 =	vshll.u32 v16, $0x3;
	v19 =	vshll.u32 v14, $0x3;
	v13 =	vor.u32 v13, v17;
	[tilespmem:$0x10300] =	vst v63  }
0x40: {  	_ =	swait.ge [sflag:s16], $0x200;
	v17 =	vand.u32 $0xFFFFFC00, v18;
	v18 =	vand.u32 $0x7F, v15;
	v15 =	vshll.u32 v15, $0x3  }
0x41: {  	[sflag:s16] =	ssyncset.done $0x0;
	v16 =	vand.u32 $0x7F, v16;
	v19 =	vand.u32 $0xFFFFFC00, v19;
	v15 =	vand.u32 $0xFFFFFC00, v15  }
0x42: {  	s28 =	simm.s32 $0x0;
	[sflag:s16] =	ssyncadd.s32 $0xFFFFFE00;
	v14 =	vor.u32 v16, v17;
	v16 =	vor.u32 v63, v19;
	v15 =	vor.u32 v18, v15  }
.LBB2_4:
0x43: {  	v17 =	vmov s25  }
0x44: {  	v18 =	vshll.u32 v17, $0x8  }
0x45: {  	v17 =	vshll.u32 v17, $0x7;
	v30 =	vand.u32 $0x3800, v18  }
0x46: {  	_ =	swait.ge [sflag:s18], $0x4000;
	v29 =	vand.u32 $0x380, v17;
	v17 =	vadd.s32 v1, v30  }
0x47: {  	p1 =	seq.s32 s28, $0x0;
	[sflag:s18] =	ssyncset.done $0x0;
	v17 =	vor.u32 v29, v17  }
0x48: {  	s0 =	simm.s32 @!p1 $0x3;
	[sflag:s18] =	ssyncadd.s32 $0xFFFFC000  }
0x49: {  	_ =	swait.ge @!p1 [sflag:s0], $0x4000  }
0x4a: {  	[sflag:s0] =	ssyncset.done @!p1 $0x0  }
0x4b: {  	[sflag:s0] =	ssyncadd.s32 @!p1 $0xFFFFC000  }
0x4c: {  	v18 =	vadd.s32 v2, v30;
	v17 =	vld.idx.msk [tilespmem:v17+s14+$0x0], $0xffff  }
0x4d: {  	v18 =	vor.u32 v29, v18;
	_ =	sdelay $0x1  }
0x4e: {  	s13 =	sand.u32 $0x3800, s25;
	s2 =	sand.u32 $0x380, s25  }
0x4f: {  	s7 =	simm.s32 $0x1;
	s3 =	sor.u32 s2, s13  }
0x50: {  	v19 =	vmov s7;
	[tilespmem:s3+$0x8300] =	vst v17  }
0x51: {  	v20 =	vadd.s32 v3, v30;
	v17 =	vld.idx.msk [tilespmem:v18+s14+$0x0], $0xffff;
	v18 =	vshll.u32 v19, $0x8  }
0x52: {  	v19 =	vshll.u32 v19, $0x7;
	v21 =	vand.u32 $0x3800, v18;
	v18 =	vor.u32 v29, v20  }
0x53: {  	v20 =	vand.u32 $0x380, v19;
	v19 =	vadd.s32 v1, v21  }
0x54: {  	v19 =	vor.u32 v20, v19;
	_ =	sdelay $0x1  }
0x55: {  	[tilespmem:s3+$0x8310] =	vst v17  }
0x56: {  	v17 =	vld.idx.msk [tilespmem:v18+s14+$0x0], $0xffff;
	v18 =	vadd.s32 v4, v30  }
0x57: {  	v18 =	vor.u32 v29, v18  }
0x58: {  	v22 =	vadd.s32 v2, v21;
	v19 =	vld.idx.msk [tilespmem:v19+s14+$0x0], $0xffff  }
0x59: {  	v22 =	vor.u32 v20, v22  }
0x5a: {  	s17 =	simm.s32 $0x80;
	s22 =	simm.s32 $0x100  }
0x5b: {  	s2 =	sand.u32 $0x3800, s22;
	s0 =	sand.u32 $0x380, s17;
	[tilespmem:s3+$0x8320] =	vst v17  }
0x5c: {  	s26 =	simm.s32 $0x2;
	s30 =	sor.u32 s0, s2;
	v17 =	vadd.s32 v5, v30;
	v23 =	vld.idx.msk [tilespmem:v18+s14+$0x0], $0xffff  }
0x5d: {  	v18 =	vmov s26;
	[tilespmem:s30+$0x8300] =	vst v19;
	v19 =	vor.u32 v29, v17  }
0x5e: {  	v24 =	vadd.s32 v3, v21;
	v17 =	vshll.u32 v18, $0x8;
	v22 =	vld.idx.msk [tilespmem:v22+s14+$0x0], $0xffff  }
0x5f: {  	v24 =	vor.u32 v20, v24;
	v25 =	vshll.u32 v18, $0x7;
	v18 =	vand.u32 $0x3800, v17  }
0x60: {  	v17 =	vand.u32 $0x380, v25;
	v25 =	vadd.s32 v1, v18  }
0x61: {  	v25 =	vor.u32 v17, v25;
	[tilespmem:s3+$0x8330] =	vst v23  }
0x62: {  	v23 =	vadd.s32 v6, v30;
	v19 =	vld.idx.msk [tilespmem:v19+s14+$0x0], $0xffff  }
0x63: {  	[tilespmem:s30+$0x8310] =	vst v22;
	v22 =	vor.u32 v29, v23  }
0x64: {  	v23 =	vld.idx.msk [tilespmem:v24+s14+$0x0], $0xffff;
	v24 =	vadd.s32 v4, v21  }
0x65: {  	v24 =	vor.u32 v20, v24  }
0x66: {  	v26 =	vadd.s32 v2, v18;
	v25 =	vld.idx.msk [tilespmem:v25+s14+$0x0], $0xffff  }
0x67: {  	v26 =	vor.u32 v17, v26;
	[tilespmem:s3+$0x8340] =	vst v19  }
0x68: {  	s8 =	simm.s32 $0x100;
	s9 =	simm.s32 $0x200;
	v19 =	vadd.s32 v7, v30;
	v22 =	vld.idx.msk [tilespmem:v22+s14+$0x0], $0xffff  }
0x69: {  	s13 =	simm.s32 $0x3;
	s2 =	sand.u32 $0x3800, s9;
	s0 =	sand.u32 $0x380, s8;
	[tilespmem:s30+$0x8320] =	vst v23;
	v23 =	vor.u32 v29, v19  }
0x6a: {  	s29 =	sor.u32 s0, s2;
	v27 =	vadd.s32 v5, v21;
	v19 =	vmov s13;
	v24 =	vld.idx.msk [tilespmem:v24+s14+$0x0], $0xffff  }
0x6b: {  	[tilespmem:s29+$0x8300] =	vst v25;
	v25 =	vor.u32 v20, v27;
	v27 =	vshll.u32 v19, $0x8  }
0x6c: {  	v31 =	vadd.s32 v3, v18;
	v28 =	vshll.u32 v19, $0x7;
	v26 =	vld.idx.msk [tilespmem:v26+s14+$0x0], $0xffff;
	v19 =	vand.u32 $0x3800, v27  }
0x6d: {  	v27 =	vor.u32 v17, v31;
	[tilespmem:s3+$0x8350] =	vst v22;
	v22 =	vand.u32 $0x380, v28;
	v28 =	vadd.s32 v1, v19  }
0x6e: {  	v31 =	vadd.s32 v8, v30;
	v23 =	vld.idx.msk [tilespmem:v23+s14+$0x0], $0xffff;
	v28 =	vor.u32 v22, v28  }
0x6f: {  	[tilespmem:s30+$0x8330] =	vst v24;
	v24 =	vor.u32 v29, v31  }
0x70: {  	v31 =	vadd.s32 v6, v21;
	v25 =	vld.idx.msk [tilespmem:v25+s14+$0x0], $0xffff  }
0x71: {  	[tilespmem:s29+$0x8310] =	vst v26;
	v26 =	vor.u32 v20, v31  }
0x72: {  	v31 =	vadd.s32 v4, v18;
	v27 =	vld.idx.msk [tilespmem:v27+s14+$0x0], $0xffff  }
0x73: {  	v31 =	vor.u32 v17, v31;
	v28 =	vld.idx.msk [tilespmem:v28+s14+$0x0], $0xffff;
	[tilespmem:s3+$0x8360] =	vst v23;
	v23 =	vadd.s32 v2, v19  }
0x74: {  	v32 =	vadd.s32 v9, v30;
	v24 =	vld.idx.msk [tilespmem:v24+s14+$0x0], $0xffff;
	v23 =	vor.u32 v22, v23  }
0x75: {  	s22 =	simm.s32 $0x300;
	s17 =	simm.s32 $0x180;
	[tilespmem:s30+$0x8340] =	vst v25;
	v25 =	vor.u32 v29, v32  }
0x76: {  	s2 =	sand.u32 $0x3800, s22;
	s0 =	sand.u32 $0x380, s17;
	v53 =	vadd.s32 v7, v21;
	v26 =	vld.idx.msk [tilespmem:v26+s14+$0x0], $0xffff  }
0x77: {  	s31 =	sor.u32 s0, s2;
	s26 =	simm.s32 $0x4;
	[tilespmem:s29+$0x8320] =	vst v27;
	v27 =	vor.u32 v20, v53  }
0x78: {  	v35 =	vadd.s32 v10, v30;
	v54 =	vmov s26;
	v31 =	vld.idx.msk [tilespmem:v31+s14+$0x0], $0xffff;
	[tilespmem:s31+$0x8300] =	vst v28;
	v28 =	vadd.s32 v5, v18  }
0x79: {  	v34 =	vld.idx.msk [tilespmem:v23+s14+$0x0], $0xffff;
	v28 =	vor.u32 v17, v28;
	[tilespmem:s3+$0x8370] =	vst v24;
	v23 =	vshll.u32 v54, $0x8;
	v24 =	vadd.s32 v3, v19  }
0x7a: {  	v33 =	vshll.u32 v54, $0x7;
	v25 =	vld.idx.msk [tilespmem:v25+s14+$0x0], $0xffff;
	v23 =	vand.u32 $0x3800, v23;
	v55 =	vor.u32 v22, v24  }
0x7b: {  	v56 =	vor.u32 v29, v35;
	v24 =	vand.u32 $0x380, v33;
	[tilespmem:s30+$0x8350] =	vst v26;
	v26 =	vadd.s32 v1, v23  }
0x7c: {  	v57 =	vadd.s32 v8, v21;
	v27 =	vld.idx.msk [tilespmem:v27+s14+$0x0], $0xffff;
	v26 =	vor.u32 v24, v26  }
0x7d: {  	[tilespmem:s29+$0x8330] =	vst v31;
	v31 =	vor.u32 v20, v57  }
0x7e: {  	v58 =	vadd.s32 v6, v18;
	v28 =	vld.idx.msk [tilespmem:v28+s14+$0x0], $0xffff;
	[tilespmem:s31+$0x8310] =	vst v34  }
0x7f: {  	v34 =	vor.u32 v17, v58;
	v32 =	vld.idx.msk [tilespmem:v55+s14+$0x0], $0xffff;
	[tilespmem:s3+$0x8700] =	vst v25;
	v25 =	vadd.s32 v4, v19  }
0x80: {  	v59 =	vadd.s32 v11, v30;
	v33 =	vld.idx.msk [tilespmem:v56+s14+$0x0], $0xffff;
	v25 =	vor.u32 v22, v25  }
0x81: {  	v35 =	vor.u32 v29, v59;
	v26 =	vld.idx.msk [tilespmem:v26+s14+$0x0], $0xffff;
	[tilespmem:s30+$0x8360] =	vst v27;
	v27 =	vadd.s32 v2, v23  }
0x82: {  	v36 =	vadd.s32 v9, v21;
	v31 =	vld.idx.msk [tilespmem:v31+s14+$0x0], $0xffff;
	v27 =	vor.u32 v24, v27  }
0x83: {  	s7 =	simm.s32 $0x200;
	v37 =	vadd.s32 v12, v30;
	s8 =	simm.s32 $0x400;
	[tilespmem:s29+$0x8340] =	vst v28;
	v28 =	vor.u32 v20, v36  }
0x84: {  	v42 =	vadd.s32 v13, v30;
	s2 =	sand.u32 $0x3800, s8;
	s0 =	sand.u32 $0x380, s7;
	v60 =	vadd.s32 v7, v18;
	v34 =	vld.idx.msk [tilespmem:v34+s14+$0x0], $0xffff;
	[tilespmem:s31+$0x8320] =	vst v32  }
0x85: {  	s9 =	simm.s32 $0x5;
	s0 =	sor.u32 s0, s2;
	v62 =	vadd.s32 v5, v19;
	v32 =	vor.u32 v17, v60;
	v61 =	vld.idx.msk [tilespmem:v25+s14+$0x0], $0xffff;
	[tilespmem:s3+$0x8710] =	vst v33  }
0x86: {  	v37 =	vor.u32 v29, v37;
	v25 =	vmov s9;
	v33 =	vor.u32 v22, v62;
	[tilespmem:s0+$0x8300] =	vst v26;
	v35 =	vld.idx.msk [tilespmem:v35+s14+$0x0], $0xffff  }
0x87: {  	v26 =	vshll.u32 v25, $0x7;
	v25 =	vshll.u32 v25, $0x8;
	v27 =	vld.idx.msk [tilespmem:v27+s14+$0x0], $0xffff;
	[tilespmem:s30+$0x8370] =	vst v31;
	v31 =	vadd.s32 v3, v23  }
0x88: {  	v38 =	vadd.s32 v10, v21;
	v25 =	vand.u32 $0x3800, v25;
	v28 =	vld.idx.msk [tilespmem:v28+s14+$0x0], $0xffff;
	v31 =	vor.u32 v24, v31  }
0x89: {  	v38 =	vor.u32 v20, v38;
	v26 =	vand.u32 $0x380, v26;
	v63 =	vadd.s32 v1, v25;
	[tilespmem:s29+$0x8350] =	vst v34  }
0x8a: {  	v40 =	vadd.s32 v8, v18;
	v34 =	vor.u32 v26, v63;
	v32 =	vld.idx.msk [tilespmem:v32+s14+$0x0], $0xffff;
	[tilespmem:s31+$0x8330] =	vst v61  }
0x8b: {  	v41 =	vadd.s32 v6, v19;
	v36 =	vor.u32 v17, v40;
	v33 =	vld.idx.msk [tilespmem:v33+s14+$0x0], $0xffff;
	[tilespmem:s3+$0x8720] =	vst v35  }
0x8c: {  	v39 =	vadd.s32 v11, v21;
	v35 =	vor.u32 v22, v41;
	[tilespmem:s0+$0x8310] =	vst v27;
	v27 =	vld.idx.msk [tilespmem:v37+s14+$0x0], $0xffff  }
0x8d: {  	v37 =	vor.u32 v29, v42;
	v31 =	vld.idx.msk [tilespmem:v31+s14+$0x0], $0xffff;
	[tilespmem:s30+$0x8700] =	vst v28;
	v28 =	vadd.s32 v4, v23  }
0x8e: {  	v39 =	vor.u32 v20, v39;
	v38 =	vld.idx.msk [tilespmem:v38+s14+$0x0], $0xffff;
	v28 =	vor.u32 v24, v28  }
0x8f: {  	v44 =	vadd.s32 v9, v18;
	v43 =	vadd.s32 v2, v25;
	v34 =	vld.idx.msk [tilespmem:v34+s14+$0x0], $0xffff;
	[tilespmem:s29+$0x8360] =	vst v32  }
0x90: {  	v46 =	vadd.s32 v5, v23;
	v32 =	vor.u32 v26, v43;
	v36 =	vld.idx.msk [tilespmem:v36+s14+$0x0], $0xffff;
	[tilespmem:s31+$0x8340] =	vst v33  }
0x91: {  	s17 =	simm.s32 $0x500;
	s13 =	simm.s32 $0x280;
	v33 =	vor.u32 v17, v44;
	v35 =	vld.idx.msk [tilespmem:v35+s14+$0x0], $0xffff;
	[tilespmem:s3+$0x8730] =	vst v27;
	v27 =	vadd.s32 v7, v19  }
0x92: {  	s7 =	sand.u32 $0x3800, s17;
	s2 =	sand.u32 $0x380, s13;
	[tilespmem:s0+$0x8320] =	vst v31;
	v31 =	vld.idx.msk [tilespmem:v37+s14+$0x0], $0xffff;
	v45 =	vor.u32 v22, v27;
	v27 =	vadd.s32 v14, v30  }
0x93: {  	s8 =	simm.s32 $0x6;
	s2 =	sor.u32 s2, s7;
	v49 =	vadd.s32 v3, v25;
	v40 =	vld.idx.msk [tilespmem:v28+s14+$0x0], $0xffff;
	[tilespmem:s30+$0x8710] =	vst v38;
	v41 =	vor.u32 v29, v27  }
0x94: {  	v28 =	vmov s8;
	[tilespmem:s2+$0x8300] =	vst v34;
	v38 =	vor.u32 v24, v46;
	v27 =	vadd.s32 v12, v21;
	v47 =	vld.idx.msk [tilespmem:v39+s14+$0x0], $0xffff  }
0x95: {  	v48 =	vshll.u32 v28, $0x7;
	v32 =	vld.idx.msk [tilespmem:v32+s14+$0x0], $0xffff;
	v28 =	vshll.u32 v28, $0x8;
	v42 =	vor.u32 v20, v27;
	[tilespmem:s29+$0x8370] =	vst v36  }
0x96: {  	v50 =	vadd.s32 v10, v18;
	v27 =	vand.u32 $0x3800, v28;
	v36 =	vor.u32 v26, v49;
	v33 =	vld.idx.msk [tilespmem:v33+s14+$0x0], $0xffff;
	[tilespmem:s31+$0x8350] =	vst v35  }
0x97: {  	v28 =	vand.u32 $0x380, v48;
	v51 =	vadd.s32 v1, v27;
	v35 =	vor.u32 v17, v50;
	v37 =	vld.idx.msk [tilespmem:v45+s14+$0x0], $0xffff;
	[tilespmem:s3+$0x8740] =	vst v31  }
0x98: {  	v52 =	vadd.s32 v8, v19;
	v31 =	vor.u32 v28, v51;
	[tilespmem:s0+$0x8330] =	vst v40;
	v53 =	vld.idx.msk [tilespmem:v41+s14+$0x0], $0xffff  }
0x99: {  	v54 =	vadd.s32 v15, v30;
	v39 =	vor.u32 v22, v52;
	v38 =	vld.idx.msk [tilespmem:v38+s14+$0x0], $0xffff;
	[tilespmem:s30+$0x8720] =	vst v47  }
0x9a: {  	v55 =	vadd.s32 v6, v23;
	v34 =	vor.u32 v29, v54;
	[tilespmem:s2+$0x8310] =	vst v32;
	v56 =	vld.idx.msk [tilespmem:v42+s14+$0x0], $0xffff  }
0x9b: {  	v59 =	vadd.s32 v13, v21;
	v58 =	vor.u32 v24, v55;
	v57 =	vld.idx.msk [tilespmem:v36+s14+$0x0], $0xffff;
	[tilespmem:s29+$0x8700] =	vst v33  }
0x9c: {  	v60 =	vadd.s32 v4, v25;
	v43 =	vor.u32 v20, v59;
	v35 =	vld.idx.msk [tilespmem:v35+s14+$0x0], $0xffff  }
0x9d: {  	v33 =	vor.u32 v26, v60;
	v44 =	vld.idx.msk [tilespmem:v31+s14+$0x0], $0xffff;
	[tilespmem:s31+$0x8360] =	vst v37;
	v31 =	vadd.s32 v11, v18  }
0x9e: {  	v61 =	vadd.s32 v2, v27;
	v39 =	vld.idx.msk [tilespmem:v39+s14+$0x0], $0xffff;
	v45 =	vor.u32 v17, v31;
	[tilespmem:s3+$0x8750] =	vst v53  }
0x9f: {  	v62 =	vadd.s32 v7, v23;
	v46 =	vor.u32 v28, v61;
	[tilespmem:s0+$0x8340] =	vst v38;
	v32 =	vld.idx.msk [tilespmem:v34+s14+$0x0], $0xffff  }
0xa0: {  	s13 =	simm.s32 $0x600;
	s9 =	simm.s32 $0x300;
	v63 =	vadd.s32 v5, v25;
	v31 =	vadd.s32 v9, v19;
	v37 =	vld.idx.msk [tilespmem:v58+s14+$0x0], $0xffff;
	[tilespmem:s30+$0x8730] =	vst v56  }
0xa1: {  	s22 =	sand.u32 $0x3800, s13;
	s26 =	sand.u32 $0x380, s9;
	v30 =	vadd.s32 v16, v30;
	v36 =	vor.u32 v22, v31;
	[tilespmem:s2+$0x8320] =	vst v57;
	v34 =	vld.idx.msk [tilespmem:v43+s14+$0x0], $0xffff  }
0xa2: {  	s17 =	simm.s32 $0x7;
	s8 =	sor.u32 s26, s22;
	v41 =	vor.u32 v26, v63;
	v31 =	vor.u32 v29, v30;
	v40 =	vld.idx.msk [tilespmem:v33+s14+$0x0], $0xffff;
	[tilespmem:s29+$0x8710] =	vst v35  }
0xa3: {  	v38 =	vor.u32 v24, v62;
	v29 =	vadd.s32 v14, v21;
	v30 =	vmov s17;
	[tilespmem:s8+$0x8300] =	vst v44;
	v35 =	vld.idx.msk [tilespmem:v45+s14+$0x0], $0xffff  }
0xa4: {  	s26 =	sshll.u32 s28, $0x7;
	s17 =	simm.s32 $0x8;
	v33 =	vor.u32 v20, v29;
	v29 =	vshll.u32 v30, $0x7;
	v42 =	vld.idx.msk [tilespmem:v46+s14+$0x0], $0xffff;
	[tilespmem:s31+$0x8370] =	vst v39;
	v39 =	vadd.s32 v12, v18  }
.LBB2_5:
0xa5: {  	v30 =	vshll.u32 v30, $0x8;
	v43 =	vadd.s32 v3, v27;
	v39 =	vor.u32 v17, v39  }
0xa6: {  	p0 =	sne.s32 s17, $0x3F;
	v36 =	vld.idx.msk [tilespmem:v36+s14+$0x0], $0xffff;
	[tilespmem:s3+$0x8760] =	vst v32;
	v44 =	vmovc v25;
	v25 =	vmovc v27;
	v45 =	vmov v20;
	v20 =	vmov v17;
	v17 =	vmov v22  }
0xa7: {  	v27 =	vand.u32 $0x3800, v30;
	v30 =	vor.u32 v28, v43;
	[tilespmem:s0+$0x8350] =	vst v37;
	v43 =	vadd.s32 v10, v19;
	v31 =	vld.idx.msk [tilespmem:v31+s14+$0x0], $0xffff  }
0xa8: {  	v29 =	vand.u32 $0x380, v29;
	v32 =	vadd.s32 v1, v27;
	v37 =	vld.idx.msk [tilespmem:v38+s14+$0x0], $0xffff;
	v38 =	vor.u32 v17, v43;
	[tilespmem:s30+$0x8740] =	vst v34  }
0xa9: {  	v22 =	vmov v24;
	v34 =	vadd.s32 v8, v23;
	v32 =	vor.u32 v29, v32;
	[tilespmem:s2+$0x8330] =	vst v40;
	v33 =	vld.idx.msk [tilespmem:v33+s14+$0x0], $0xffff  }
0xaa: {  	v24 =	vmov v26;
	v34 =	vor.u32 v22, v34;
	v40 =	vld.idx.msk [tilespmem:v41+s14+$0x0], $0xffff;
	[tilespmem:s29+$0x8720] =	vst v35;
	v35 =	vadd.s32 v15, v21  }
0xab: {  	v26 =	vmov v28;
	v41 =	vadd.s32 v6, v44;
	[tilespmem:s8+$0x8310] =	vst v42;
	v39 =	vld.idx.msk [tilespmem:v39+s14+$0x0], $0xffff;
	v35 =	vor.u32 v45, v35  }
0xac: {  	v28 =	vmov v29;
	v41 =	vor.u32 v24, v41;
	v30 =	vld.idx.msk [tilespmem:v30+s14+$0x0], $0xffff;
	[tilespmem:s31+$0x8700] =	vst v36;
	v36 =	vadd.s32 v13, v18  }
0xad: {  	v29 =	vadd.s32 v4, v25;
	v42 =	vld.idx.msk [tilespmem:v38+s14+$0x0], $0xffff;
	v38 =	vor.u32 v20, v36;
	[tilespmem:s3+$0x8770] =	vst v31;
	s3 =	smov.u32 s30;
	s30 =	smov.u32 s29;
	s29 =	smov.u32 s31  }
0xae: {  	v29 =	vor.u32 v26, v29;
	v31 =	vadd.s32 v11, v19;
	s31 =	smov.u32 s0;
	v43 =	vld.idx.msk [tilespmem:v32+s14+$0x0], $0xffff;
	[tilespmem:s0+$0x8360] =	vst v37;
	s0 =	smov.u32 s2;
	s2 =	smov.u32 s8  }
0xaf: {  	v32 =	vadd.s32 v2, v27;
	v47 =	vor.u32 v17, v31;
	v46 =	vld.idx.msk [tilespmem:v34+s14+$0x0], $0xffff;
	[tilespmem:s3+$0x8750] =	vst v33  }
0xb0: {  	v31 =	vadd.s32 v9, v23;
	v48 =	vor.u32 v28, v32;
	[tilespmem:s0+$0x8340] =	vst v40;
	v32 =	vld.idx.msk [tilespmem:v35+s14+$0x0], $0xffff  }
.Ltmp1:
0xb1: {  	s9 =	sadd.s32 $0x80, s9;
	s13 =	sadd.s32 $0x100, s13;
	v36 =	vor.u32 v22, v31;
	v31 =	vadd.s32 v16, v21;
	v21 =	vmov v18;
	v37 =	vld.idx.msk [tilespmem:v41+s14+$0x0], $0xffff;
	[tilespmem:s30+$0x8730] =	vst v39;
	(pc) =	sbr.rel @p0 .LBB2_5-.Ltmp1, $4  }
0xb2: {  	s7 =	sand.u32 $0x3800, s13;
	s8 =	sand.u32 $0x380, s9;
	v18 =	vmov v19;
	v31 =	vor.u32 v45, v31;
	[tilespmem:s2+$0x8320] =	vst v30;
	v30 =	vadd.s32 v7, v44;
	v34 =	vld.idx.msk [tilespmem:v38+s14+$0x0], $0xffff  }
0xb3: {  	s8 =	sor.u32 s8, s7;
	v19 =	vmov v23;
	v40 =	vld.idx.msk [tilespmem:v29+s14+$0x0], $0xffff;
	v38 =	vor.u32 v24, v30;
	[tilespmem:s29+$0x8710] =	vst v42;
	v29 =	vadd.s32 v14, v21  }
0xb4: {  	v23 =	vmovc v44;
	v39 =	vadd.s32 v5, v25;
	v30 =	vmov s17;
	[tilespmem:s8+$0x8300] =	vst v43;
	v35 =	vld.idx.msk [tilespmem:v47+s14+$0x0], $0xffff;
	v33 =	vor.u32 v20, v29  }
0xb5: {  	v41 =	vor.u32 v26, v39;
	v39 =	vadd.s32 v12, v18;
	s17 =	sadd.s32 $0x1, s17;
	v29 =	vshll.u32 v30, $0x7;
	v42 =	vld.idx.msk [tilespmem:v48+s14+$0x0], $0xffff;
	[tilespmem:s31+$0x8370] =	vst v46  }
0xb6: {  	v30 =	vshll.u32 v30, $0x8  }
0xb7: {  	v30 =	vand.u32 $0x3800, v30  }
0xb8: {  	v29 =	vand.u32 $0x380, v29;
	v43 =	vadd.s32 v1, v30  }
0xb9: {  	v43 =	vor.u32 v29, v43;
	_ =	sdelay $0x4  }
0xba: {  	v44 =	vadd.s32 v2, v30;
	v43 =	vld.idx.msk [tilespmem:v43+s14+$0x0], $0xffff  }
0xbb: {  	v44 =	vor.u32 v29, v44  }
0xbc: {  	s7 =	sadd.s32 $0x80, s9;
	s22 =	sadd.s32 $0x100, s13  }
0xbd: {  	s9 =	sand.u32 $0x3800, s22;
	s7 =	sand.u32 $0x380, s7  }
0xbe: {  	s17 =	sor.u32 s7, s9  }
0xbf: {  	v45 =	vadd.s32 v3, v27;
	[tilespmem:s17+$0x8300] =	vst v43  }
0xc0: {  	v52 =	vor.u32 v28, v45;
	v53 =	vadd.s32 v3, v30;
	v44 =	vld.idx.msk [tilespmem:v44+s14+$0x0], $0xffff  }
0xc1: {  	v45 =	vor.u32 v29, v53;
	_ =	sdelay $0x2  }
0xc2: {  	[tilespmem:s8+$0x8310] =	vst v42  }
0xc3: {  	v54 =	vadd.s32 v4, v27;
	v42 =	vld.idx.msk [tilespmem:v52+s14+$0x0], $0xffff;
	[tilespmem:s17+$0x8310] =	vst v44  }
0xc4: {  	v55 =	vadd.s32 v4, v30;
	v43 =	vor.u32 v28, v54;
	v44 =	vld.idx.msk [tilespmem:v45+s14+$0x0], $0xffff  }
0xc5: {  	v45 =	vor.u32 v29, v55;
	_ =	sdelay $0x2  }
0xc6: {  	[tilespmem:s8+$0x8320] =	vst v42  }
0xc7: {  	v56 =	vadd.s32 v5, v27;
	v42 =	vld.idx.msk [tilespmem:v43+s14+$0x0], $0xffff;
	[tilespmem:s17+$0x8320] =	vst v44  }
0xc8: {  	v57 =	vadd.s32 v5, v30;
	[tilespmem:s2+$0x8330] =	vst v40;
	v43 =	vor.u32 v28, v56;
	v44 =	vld.idx.msk [tilespmem:v45+s14+$0x0], $0xffff  }
0xc9: {  	v58 =	vadd.s32 v6, v25;
	v40 =	vld.idx.msk [tilespmem:v41+s14+$0x0], $0xffff;
	v45 =	vor.u32 v29, v57  }
0xca: {  	v41 =	vor.u32 v26, v58;
	_ =	sdelay $0x1  }
0xcb: {  	[tilespmem:s8+$0x8330] =	vst v42  }
0xcc: {  	v59 =	vadd.s32 v6, v27;
	v42 =	vld.idx.msk [tilespmem:v43+s14+$0x0], $0xffff;
	[tilespmem:s17+$0x8330] =	vst v44  }
0xcd: {  	v60 =	vadd.s32 v6, v30;
	[tilespmem:s2+$0x8340] =	vst v40;
	v43 =	vor.u32 v28, v59;
	v44 =	vld.idx.msk [tilespmem:v45+s14+$0x0], $0xffff  }
0xce: {  	v61 =	vadd.s32 v7, v25;
	v40 =	vld.idx.msk [tilespmem:v41+s14+$0x0], $0xffff;
	v45 =	vor.u32 v29, v60  }
0xcf: {  	v41 =	vor.u32 v26, v61;
	_ =	sdelay $0x1  }
0xd0: {  	[tilespmem:s8+$0x8340] =	vst v42  }
0xd1: {  	v62 =	vadd.s32 v7, v27;
	v42 =	vld.idx.msk [tilespmem:v43+s14+$0x0], $0xffff;
	[tilespmem:s17+$0x8340] =	vst v44  }
0xd2: {  	v63 =	vadd.s32 v7, v30;
	[tilespmem:s2+$0x8350] =	vst v40;
	v43 =	vor.u32 v28, v62;
	v44 =	vld.idx.msk [tilespmem:v45+s14+$0x0], $0xffff  }
0xd3: {  	v49 =	vadd.s32 v8, v25;
	v40 =	vld.idx.msk [tilespmem:v41+s14+$0x0], $0xffff;
	v45 =	vor.u32 v29, v63  }
0xd4: {  	[tilespmem:s0+$0x8350] =	vst v37;
	v41 =	vor.u32 v26, v49  }
0xd5: {  	v48 =	vadd.s32 v8, v23;
	v37 =	vld.idx.msk [tilespmem:v38+s14+$0x0], $0xffff  }
0xd6: {  	v38 =	vor.u32 v24, v48;
	[tilespmem:s8+$0x8350] =	vst v42  }
0xd7: {  	v50 =	vadd.s32 v8, v27;
	v42 =	vld.idx.msk [tilespmem:v43+s14+$0x0], $0xffff;
	[tilespmem:s17+$0x8350] =	vst v44  }
0xd8: {  	v51 =	vor.u32 v28, v50;
	v53 =	vadd.s32 v8, v30;
	[tilespmem:s2+$0x8360] =	vst v40;
	v52 =	vld.idx.msk [tilespmem:v45+s14+$0x0], $0xffff  }
0xd9: {  	[tilespmem:s3+$0x8760] =	vst v32;
	v54 =	vor.u32 v29, v53;
	v56 =	vadd.s32 v9, v25;
	v40 =	vld.idx.msk [tilespmem:v41+s14+$0x0], $0xffff  }
0xda: {  	[tilespmem:s0+$0x8360] =	vst v37;
	v41 =	vor.u32 v26, v56  }
0xdb: {  	[tilespmem:s30+$0x8740] =	vst v34;
	v37 =	vld.idx.msk [tilespmem:v38+s14+$0x0], $0xffff;
	v55 =	vadd.s32 v9, v23  }
0xdc: {  	v31 =	vld.idx.msk [tilespmem:v31+s14+$0x0], $0xffff;
	v38 =	vor.u32 v24, v55;
	[tilespmem:s8+$0x8360] =	vst v42  }
0xdd: {  	v57 =	vadd.s32 v9, v27;
	v32 =	vld.idx.msk [tilespmem:v51+s14+$0x0], $0xffff;
	[tilespmem:s17+$0x8360] =	vst v52  }
0xde: {  	v59 =	vadd.s32 v9, v30;
	[tilespmem:s2+$0x8370] =	vst v40;
	v58 =	vor.u32 v28, v57;
	v34 =	vld.idx.msk [tilespmem:v54+s14+$0x0], $0xffff  }
0xdf: {  	v46 =	vadd.s32 v10, v25;
	[tilespmem:s29+$0x8720] =	vst v35;
	v41 =	vld.idx.msk [tilespmem:v41+s14+$0x0], $0xffff;
	v60 =	vor.u32 v29, v59  }
0xe0: {  	v36 =	vld.idx.msk [tilespmem:v36+s14+$0x0], $0xffff;
	v47 =	vor.u32 v26, v46;
	v61 =	vadd.s32 v10, v19;
	[tilespmem:s0+$0x8370] =	vst v37  }
0xe1: {  	[tilespmem:s3+$0x8770] =	vst v31;
	v38 =	vld.idx.msk [tilespmem:v38+s14+$0x0], $0xffff;
	v62 =	vor.u32 v22, v61;
	v63 =	vadd.s32 v10, v23  }
0xe2: {  	v33 =	vld.idx.msk [tilespmem:v33+s14+$0x0], $0xffff;
	v45 =	vor.u32 v24, v63;
	[tilespmem:s8+$0x8370] =	vst v32  }
0xe3: {  	v39 =	vor.u32 v17, v39;
	v48 =	vadd.s32 v10, v27;
	v35 =	vld.idx.msk [tilespmem:v58+s14+$0x0], $0xffff;
	[tilespmem:s17+$0x8370] =	vst v34  }
0xe4: {  	v31 =	vor.u32 v28, v48;
	v49 =	vadd.s32 v10, v30;
	[tilespmem:s2+$0x8700] =	vst v41;
	v34 =	vld.idx.msk [tilespmem:v60+s14+$0x0], $0xffff  }
0xe5: {  	[tilespmem:s31+$0x8700] =	vst v36;
	v57 =	vadd.s32 v11, v25;
	v51 =	vor.u32 v29, v49;
	v32 =	vld.idx.msk [tilespmem:v47+s14+$0x0], $0xffff  }
0xe6: {  	v53 =	vadd.s32 v11, v19;
	[tilespmem:s0+$0x8700] =	vst v38;
	v37 =	vld.idx.msk [tilespmem:v62+s14+$0x0], $0xffff;
	v58 =	vor.u32 v26, v57  }
0xe7: {  	[tilespmem:s30+$0x8750] =	vst v33;
	v55 =	vadd.s32 v11, v23;
	v40 =	vld.idx.msk [tilespmem:v45+s14+$0x0], $0xffff;
	v54 =	vor.u32 v22, v53  }
0xe8: {  	v50 =	vadd.s32 v15, v21;
	v39 =	vld.idx.msk [tilespmem:v39+s14+$0x0], $0xffff;
	v56 =	vor.u32 v24, v55;
	[tilespmem:s8+$0x8700] =	vst v35  }
0xe9: {  	v59 =	vadd.s32 v11, v27;
	v52 =	vor.u32 v20, v50;
	v31 =	vld.idx.msk [tilespmem:v31+s14+$0x0], $0xffff;
	[tilespmem:s17+$0x8700] =	vst v34  }
0xea: {  	v61 =	vadd.s32 v11, v30;
	[tilespmem:s2+$0x8710] =	vst v32;
	v60 =	vor.u32 v28, v59;
	v33 =	vld.idx.msk [tilespmem:v51+s14+$0x0], $0xffff  }
0xeb: {  	v62 =	vadd.s32 v13, v18;
	[tilespmem:s31+$0x8710] =	vst v37;
	v63 =	vor.u32 v29, v61;
	v35 =	vld.idx.msk [tilespmem:v58+s14+$0x0], $0xffff  }
0xec: {  	v46 =	vadd.s32 v12, v19;
	v45 =	vor.u32 v17, v62;
	[tilespmem:s0+$0x8710] =	vst v40;
	v38 =	vld.idx.msk [tilespmem:v54+s14+$0x0], $0xffff  }
0xed: {  	v48 =	vadd.s32 v12, v23;
	[tilespmem:s29+$0x8730] =	vst v39;
	v47 =	vor.u32 v22, v46;
	v41 =	vld.idx.msk [tilespmem:v56+s14+$0x0], $0xffff  }
0xee: {  	v49 =	vor.u32 v24, v48;
	v50 =	vadd.s32 v12, v25;
	v36 =	vld.idx.msk [tilespmem:v52+s14+$0x0], $0xffff;
	[tilespmem:s8+$0x8710] =	vst v31  }
0xef: {  	v31 =	vor.u32 v26, v50;
	v34 =	vld.idx.msk [tilespmem:v60+s14+$0x0], $0xffff;
	v51 =	vadd.s32 v12, v27;
	[tilespmem:s17+$0x8710] =	vst v33  }
0xf0: {  	v54 =	vadd.s32 v12, v30;
	[tilespmem:s2+$0x8720] =	vst v35;
	v52 =	vor.u32 v28, v51;
	v53 =	vld.idx.msk [tilespmem:v63+s14+$0x0], $0xffff  }
0xf1: {  	v21 =	vadd.s32 v16, v21;
	v39 =	vld.idx.msk [tilespmem:v45+s14+$0x0], $0xffff;
	v37 =	vor.u32 v29, v54;
	[tilespmem:s31+$0x8720] =	vst v38  }
0xf2: {  	v55 =	vadd.s32 v13, v19;
	v20 =	vor.u32 v20, v21;
	[tilespmem:s0+$0x8720] =	vst v41;
	v21 =	vld.idx.msk [tilespmem:v47+s14+$0x0], $0xffff  }
0xf3: {  	v56 =	vadd.s32 v13, v23;
	[tilespmem:s30+$0x8760] =	vst v36;
	v38 =	vor.u32 v22, v55;
	v32 =	vld.idx.msk [tilespmem:v49+s14+$0x0], $0xffff  }
0xf4: {  	v58 =	vadd.s32 v13, v25;
	v57 =	vor.u32 v24, v56;
	v31 =	vld.idx.msk [tilespmem:v31+s14+$0x0], $0xffff;
	[tilespmem:s8+$0x8720] =	vst v34  }
0xf5: {  	v59 =	vor.u32 v26, v58;
	v60 =	vadd.s32 v13, v27;
	v33 =	vld.idx.msk [tilespmem:v52+s14+$0x0], $0xffff;
	[tilespmem:s17+$0x8720] =	vst v53  }
0xf6: {  	v62 =	vadd.s32 v13, v30;
	[tilespmem:s29+$0x8740] =	vst v39;
	v61 =	vor.u32 v28, v60;
	v37 =	vld.idx.msk [tilespmem:v37+s14+$0x0], $0xffff  }
0xf7: {  	v20 =	vld.idx.msk [tilespmem:v20+s14+$0x0], $0xffff;
	[tilespmem:s31+$0x8730] =	vst v21;
	v21 =	vor.u32 v29, v62;
	v63 =	vadd.s32 v14, v18  }
0xf8: {  	v45 =	vadd.s32 v14, v19;
	[tilespmem:s0+$0x8730] =	vst v32;
	v38 =	vld.idx.msk [tilespmem:v38+s14+$0x0], $0xffff;
	v44 =	vor.u32 v17, v63  }
0xf9: {  	v46 =	vor.u32 v22, v45;
	v47 =	vadd.s32 v14, v23;
	v35 =	vld.idx.msk [tilespmem:v57+s14+$0x0], $0xffff;
	[tilespmem:s2+$0x8730] =	vst v31  }
0xfa: {  	v48 =	vadd.s32 v14, v25;
	v31 =	vor.u32 v24, v47;
	v34 =	vld.idx.msk [tilespmem:v59+s14+$0x0], $0xffff;
	[tilespmem:s8+$0x8730] =	vst v33  }
0xfb: {  	v50 =	vadd.s32 v14, v27;
	v49 =	vor.u32 v26, v48;
	v36 =	vld.idx.msk [tilespmem:v61+s14+$0x0], $0xffff;
	[tilespmem:s17+$0x8730] =	vst v37  }
0xfc: {  	v51 =	vadd.s32 v14, v30;
	[tilespmem:s30+$0x8770] =	vst v20;
	v20 =	vor.u32 v28, v50;
	v21 =	vld.idx.msk [tilespmem:v21+s14+$0x0], $0xffff  }
0xfd: {  	v52 =	vadd.s32 v15, v18;
	[tilespmem:s31+$0x8740] =	vst v38;
	v39 =	vld.idx.msk [tilespmem:v44+s14+$0x0], $0xffff;
	v37 =	vor.u32 v29, v51  }
0xfe: {  	v54 =	vadd.s32 v15, v19;
	[tilespmem:s0+$0x8740] =	vst v35;
	v53 =	vor.u32 v17, v52;
	v32 =	vld.idx.msk [tilespmem:v46+s14+$0x0], $0xffff  }
0xff: {  	v56 =	vadd.s32 v15, v23;
	v55 =	vor.u32 v22, v54;
	v31 =	vld.idx.msk [tilespmem:v31+s14+$0x0], $0xffff;
	[tilespmem:s2+$0x8740] =	vst v34  }
0x100: {  	v58 =	vadd.s32 v15, v25;
	v57 =	vor.u32 v24, v56;
	v33 =	vld.idx.msk [tilespmem:v49+s14+$0x0], $0xffff;
	[tilespmem:s8+$0x8740] =	vst v36  }
0x101: {  	v60 =	vadd.s32 v15, v27;
	v59 =	vor.u32 v26, v58;
	v20 =	vld.idx.msk [tilespmem:v20+s14+$0x0], $0xffff;
	[tilespmem:s17+$0x8740] =	vst v21  }
0x102: {  	v61 =	vadd.s32 v15, v30;
	[tilespmem:s29+$0x8750] =	vst v39;
	v21 =	vor.u32 v28, v60;
	v37 =	vld.idx.msk [tilespmem:v37+s14+$0x0], $0xffff  }
0x103: {  	v18 =	vadd.s32 v16, v18;
	v62 =	vor.u32 v29, v61;
	[tilespmem:s31+$0x8750] =	vst v32;
	v38 =	vld.idx.msk [tilespmem:v53+s14+$0x0], $0xffff  }
0x104: {  	v19 =	vadd.s32 v16, v19;
	v17 =	vor.u32 v17, v18;
	v18 =	vld.idx.msk [tilespmem:v55+s14+$0x0], $0xffff;
	[tilespmem:s0+$0x8750] =	vst v31  }
0x105: {  	v19 =	vor.u32 v22, v19;
	v23 =	vadd.s32 v16, v23;
	v22 =	vld.idx.msk [tilespmem:v57+s14+$0x0], $0xffff;
	[tilespmem:s2+$0x8750] =	vst v33  }
0x106: {  	v25 =	vadd.s32 v16, v25;
	v23 =	vor.u32 v24, v23;
	v24 =	vld.idx.msk [tilespmem:v59+s14+$0x0], $0xffff;
	[tilespmem:s8+$0x8750] =	vst v20  }
0x107: {  	v20 =	vor.u32 v26, v25;
	v25 =	vadd.s32 v16, v27;
	v21 =	vld.idx.msk [tilespmem:v21+s14+$0x0], $0xffff;
	[tilespmem:s17+$0x8750] =	vst v37  }
0x108: {  	[tilespmem:s29+$0x8760] =	vst v38;
	v27 =	vadd.s32 v16, v30;
	v25 =	vor.u32 v28, v25;
	v26 =	vld.idx.msk [tilespmem:v62+s14+$0x0], $0xffff  }
0x109: {  	[tilespmem:s31+$0x8760] =	vst v18;
	v17 =	vld.idx.msk [tilespmem:v17+s14+$0x0], $0xffff;
	v18 =	vor.u32 v29, v27  }
0x10a: {  	v19 =	vld.idx.msk [tilespmem:v19+s14+$0x0], $0xffff;
	[tilespmem:s0+$0x8760] =	vst v22  }
0x10b: {  	v22 =	vld.idx.msk [tilespmem:v23+s14+$0x0], $0xffff;
	[tilespmem:s2+$0x8760] =	vst v24  }
0x10c: {  	v20 =	vld.idx.msk [tilespmem:v20+s14+$0x0], $0xffff;
	[tilespmem:s8+$0x8760] =	vst v21  }
0x10d: {  	v21 =	vld.idx.msk [tilespmem:v25+s14+$0x0], $0xffff;
	[tilespmem:s17+$0x8760] =	vst v26  }
0x10e: {  	[tilespmem:s29+$0x8770] =	vst v17;
	v17 =	vld.idx.msk [tilespmem:v18+s14+$0x0], $0xffff  }
0x10f: {  	[tilespmem:s31+$0x8770] =	vst v19  }
0x110: {  	[tilespmem:s0+$0x8770] =	vst v22  }
0x111: {  	[tilespmem:s2+$0x8770] =	vst v20  }
0x112: {  	s13 =	sshll.u32 s28, $0xC;
	[tilespmem:s8+$0x8770] =	vst v21  }
0x113: {  	p0 =	seq.s32 s28, $0x3;
	s0 =	sadd.s32 s13, s10;
	[tilespmem:s17+$0x8770] =	vst v17  }
0x114: {  	[hbm4b:s0+s5] =	stream.linear.scatter [tilespmem:s19], [sflag:$0x3], $0x4000, $0x38;
	[tilespmem:$0x10300] =	vst v63  }
0x115: {  	s22 =	simm.s32 $0x0;
	s0 =	sadd.s32 @!p0 s26, s11  }
0x116: {  	v17 =	vmov s22;
	s0 =	sshll.u32 @!p0 s0, $0x5  }
0x117: {  	s7 =	simm.s32 @!p0 $0x300;
	s3 =	simm.s32 @!p0 $0x0;
	v18 =	vshll.u32 v17, $0x8;
	s0 =	sadd.s32 @!p0 s1, s0  }
0x118: {  	v17 =	vshll.u32 v17, $0x7;
	v30 =	vand.u32 $0x3800, v18;
	[tilespmem:s7], [sflag:$0x1] =	stream.linear.gather @!p0 [hbm4b:s0+s3], $0x4000, $0x38;
	[tilespmem:$0x10300] =	vst v63  }
0x119: {  	v29 =	vand.u32 $0x380, v17;
	v17 =	vadd.s32 v1, v30;
	_ =	swait.ge [sflag:s20], $0x4000  }
0x11a: {  	v17 =	vor.u32 v29, v17;
	[sflag:s20] =	ssyncset.done $0x0  }
0x11b: {  	s0 =	simm.s32 @!p1 $0x4;
	[sflag:s20] =	ssyncadd.s32 $0xFFFFC000  }
0x11c: {  	_ =	swait.ge @!p1 [sflag:s0], $0x4000  }
0x11d: {  	[sflag:s0] =	ssyncset.done @!p1 $0x0  }
0x11e: {  	[sflag:s0] =	ssyncadd.s32 @!p1 $0xFFFFC000  }
0x11f: {  	v18 =	vadd.s32 v2, v30;
	v17 =	vld.idx.msk [tilespmem:v17+s15+$0x0], $0xffff  }
0x120: {  	v18 =	vor.u32 v29, v18;
	_ =	sdelay $0x1  }
0x121: {  	s2 =	sand.u32 $0x380, s22;
	s8 =	sand.u32 $0x3800, s22  }
0x122: {  	s9 =	simm.s32 $0x1;
	s3 =	sor.u32 s2, s8  }
0x123: {  	v19 =	vmov s9;
	[tilespmem:s3+$0xC300] =	vst v17  }
0x124: {  	v20 =	vadd.s32 v3, v30;
	v17 =	vld.idx.msk [tilespmem:v18+s15+$0x0], $0xffff;
	v18 =	vshll.u32 v19, $0x8  }
0x125: {  	v19 =	vshll.u32 v19, $0x7;
	v21 =	vand.u32 $0x3800, v18;
	v18 =	vor.u32 v29, v20  }
0x126: {  	v20 =	vand.u32 $0x380, v19;
	v19 =	vadd.s32 v1, v21  }
0x127: {  	v19 =	vor.u32 v20, v19;
	_ =	sdelay $0x1  }
0x128: {  	[tilespmem:s3+$0xC310] =	vst v17  }
0x129: {  	v17 =	vld.idx.msk [tilespmem:v18+s15+$0x0], $0xffff;
	v18 =	vadd.s32 v4, v30  }
0x12a: {  	v18 =	vor.u32 v29, v18  }
0x12b: {  	v22 =	vadd.s32 v2, v21;
	v19 =	vld.idx.msk [tilespmem:v19+s15+$0x0], $0xffff  }
0x12c: {  	v22 =	vor.u32 v20, v22  }
0x12d: {  	s13 =	simm.s32 $0x80;
	s17 =	simm.s32 $0x100  }
0x12e: {  	s2 =	sand.u32 $0x3800, s17;
	s0 =	sand.u32 $0x380, s13;
	[tilespmem:s3+$0xC320] =	vst v17  }
0x12f: {  	s22 =	simm.s32 $0x2;
	s30 =	sor.u32 s0, s2;
	v17 =	vadd.s32 v5, v30;
	v23 =	vld.idx.msk [tilespmem:v18+s15+$0x0], $0xffff  }
0x130: {  	v18 =	vmov s22;
	[tilespmem:s30+$0xC300] =	vst v19;
	v19 =	vor.u32 v29, v17  }
0x131: {  	v24 =	vadd.s32 v3, v21;
	v17 =	vshll.u32 v18, $0x8;
	v22 =	vld.idx.msk [tilespmem:v22+s15+$0x0], $0xffff  }
0x132: {  	v24 =	vor.u32 v20, v24;
	v25 =	vshll.u32 v18, $0x7;
	v18 =	vand.u32 $0x3800, v17  }
0x133: {  	v17 =	vand.u32 $0x380, v25;
	v25 =	vadd.s32 v1, v18  }
0x134: {  	v25 =	vor.u32 v17, v25;
	[tilespmem:s3+$0xC330] =	vst v23  }
0x135: {  	v23 =	vadd.s32 v6, v30;
	v19 =	vld.idx.msk [tilespmem:v19+s15+$0x0], $0xffff  }
0x136: {  	[tilespmem:s30+$0xC310] =	vst v22;
	v22 =	vor.u32 v29, v23  }
0x137: {  	v23 =	vld.idx.msk [tilespmem:v24+s15+$0x0], $0xffff;
	v24 =	vadd.s32 v4, v21  }
0x138: {  	v24 =	vor.u32 v20, v24  }
0x139: {  	v26 =	vadd.s32 v2, v18;
	v25 =	vld.idx.msk [tilespmem:v25+s15+$0x0], $0xffff  }
0x13a: {  	v26 =	vor.u32 v17, v26;
	[tilespmem:s3+$0xC340] =	vst v19  }
0x13b: {  	s7 =	simm.s32 $0x100;
	s8 =	simm.s32 $0x200;
	v19 =	vadd.s32 v7, v30;
	v22 =	vld.idx.msk [tilespmem:v22+s15+$0x0], $0xffff  }
0x13c: {  	s9 =	simm.s32 $0x3;
	s2 =	sand.u32 $0x3800, s8;
	s0 =	sand.u32 $0x380, s7;
	[tilespmem:s30+$0xC320] =	vst v23;
	v23 =	vor.u32 v29, v19  }
0x13d: {  	s29 =	sor.u32 s0, s2;
	v27 =	vadd.s32 v5, v21;
	v19 =	vmov s9;
	v24 =	vld.idx.msk [tilespmem:v24+s15+$0x0], $0xffff  }
0x13e: {  	[tilespmem:s29+$0xC300] =	vst v25;
	v25 =	vor.u32 v20, v27;
	v27 =	vshll.u32 v19, $0x8  }
0x13f: {  	v31 =	vadd.s32 v3, v18;
	v28 =	vshll.u32 v19, $0x7;
	v26 =	vld.idx.msk [tilespmem:v26+s15+$0x0], $0xffff;
	v19 =	vand.u32 $0x3800, v27  }
0x140: {  	v27 =	vor.u32 v17, v31;
	[tilespmem:s3+$0xC350] =	vst v22;
	v22 =	vand.u32 $0x380, v28;
	v28 =	vadd.s32 v1, v19  }
0x141: {  	v31 =	vadd.s32 v8, v30;
	v23 =	vld.idx.msk [tilespmem:v23+s15+$0x0], $0xffff;
	v28 =	vor.u32 v22, v28  }
0x142: {  	[tilespmem:s30+$0xC330] =	vst v24;
	v24 =	vor.u32 v29, v31  }
0x143: {  	v31 =	vadd.s32 v6, v21;
	v25 =	vld.idx.msk [tilespmem:v25+s15+$0x0], $0xffff  }
0x144: {  	[tilespmem:s29+$0xC310] =	vst v26;
	v26 =	vor.u32 v20, v31  }
0x145: {  	v31 =	vadd.s32 v4, v18;
	v27 =	vld.idx.msk [tilespmem:v27+s15+$0x0], $0xffff  }
0x146: {  	v31 =	vor.u32 v17, v31;
	v28 =	vld.idx.msk [tilespmem:v28+s15+$0x0], $0xffff;
	[tilespmem:s3+$0xC360] =	vst v23;
	v23 =	vadd.s32 v2, v19  }
0x147: {  	v63 =	vadd.s32 v9, v30;
	v24 =	vld.idx.msk [tilespmem:v24+s15+$0x0], $0xffff;
	v23 =	vor.u32 v22, v23  }
0x148: {  	s17 =	simm.s32 $0x300;
	s13 =	simm.s32 $0x180;
	[tilespmem:s30+$0xC340] =	vst v25;
	v25 =	vor.u32 v29, v63  }
0x149: {  	s2 =	sand.u32 $0x3800, s17;
	s0 =	sand.u32 $0x380, s13;
	v36 =	vadd.s32 v7, v21;
	v26 =	vld.idx.msk [tilespmem:v26+s15+$0x0], $0xffff  }
0x14a: {  	s31 =	sor.u32 s0, s2;
	s22 =	simm.s32 $0x4;
	[tilespmem:s29+$0xC320] =	vst v27;
	v27 =	vor.u32 v20, v36  }
0x14b: {  	v41 =	vadd.s32 v10, v30;
	v37 =	vmov s22;
	v31 =	vld.idx.msk [tilespmem:v31+s15+$0x0], $0xffff;
	[tilespmem:s31+$0xC300] =	vst v28;
	v28 =	vadd.s32 v5, v18  }
0x14c: {  	v39 =	vld.idx.msk [tilespmem:v23+s15+$0x0], $0xffff;
	v28 =	vor.u32 v17, v28;
	[tilespmem:s3+$0xC370] =	vst v24;
	v23 =	vshll.u32 v37, $0x8;
	v24 =	vadd.s32 v3, v19  }
0x14d: {  	v38 =	vshll.u32 v37, $0x7;
	v25 =	vld.idx.msk [tilespmem:v25+s15+$0x0], $0xffff;
	v23 =	vand.u32 $0x3800, v23;
	v40 =	vor.u32 v22, v24  }
0x14e: {  	v42 =	vor.u32 v29, v41;
	v24 =	vand.u32 $0x380, v38;
	[tilespmem:s30+$0xC350] =	vst v26;
	v26 =	vadd.s32 v1, v23  }
0x14f: {  	v43 =	vadd.s32 v8, v21;
	v27 =	vld.idx.msk [tilespmem:v27+s15+$0x0], $0xffff;
	v26 =	vor.u32 v24, v26  }
0x150: {  	[tilespmem:s29+$0xC330] =	vst v31;
	v31 =	vor.u32 v20, v43  }
0x151: {  	v44 =	vadd.s32 v6, v18;
	v28 =	vld.idx.msk [tilespmem:v28+s15+$0x0], $0xffff;
	[tilespmem:s31+$0xC310] =	vst v39  }
0x152: {  	v34 =	vor.u32 v17, v44;
	v32 =	vld.idx.msk [tilespmem:v40+s15+$0x0], $0xffff;
	[tilespmem:s3+$0xC700] =	vst v25;
	v25 =	vadd.s32 v4, v19  }
0x153: {  	v45 =	vadd.s32 v11, v30;
	v33 =	vld.idx.msk [tilespmem:v42+s15+$0x0], $0xffff;
	v25 =	vor.u32 v22, v25  }
0x154: {  	v35 =	vor.u32 v29, v45;
	v26 =	vld.idx.msk [tilespmem:v26+s15+$0x0], $0xffff;
	[tilespmem:s30+$0xC360] =	vst v27;
	v27 =	vadd.s32 v2, v23  }
0x155: {  	v46 =	vadd.s32 v9, v21;
	v31 =	vld.idx.msk [tilespmem:v31+s15+$0x0], $0xffff;
	v27 =	vor.u32 v24, v27  }
0x156: {  	s7 =	simm.s32 $0x200;
	s8 =	simm.s32 $0x400;
	[tilespmem:s29+$0xC340] =	vst v28;
	v28 =	vor.u32 v20, v46  }
0x157: {  	v50 =	vadd.s32 v12, v30;
	s2 =	sand.u32 $0x3800, s8;
	s0 =	sand.u32 $0x380, s7;
	v47 =	vadd.s32 v7, v18;
	v34 =	vld.idx.msk [tilespmem:v34+s15+$0x0], $0xffff;
	[tilespmem:s31+$0xC320] =	vst v32  }
0x158: {  	s0 =	sor.u32 s0, s2;
	s9 =	simm.s32 $0x5;
	v49 =	vadd.s32 v5, v19;
	v32 =	vor.u32 v17, v47;
	v48 =	vld.idx.msk [tilespmem:v25+s15+$0x0], $0xffff;
	[tilespmem:s3+$0xC710] =	vst v33  }
0x159: {  	v37 =	vor.u32 v29, v50;
	v25 =	vmov s9;
	v33 =	vor.u32 v22, v49;
	[tilespmem:s0+$0xC300] =	vst v26;
	v35 =	vld.idx.msk [tilespmem:v35+s15+$0x0], $0xffff  }
0x15a: {  	v26 =	vshll.u32 v25, $0x7;
	v25 =	vshll.u32 v25, $0x8;
	v27 =	vld.idx.msk [tilespmem:v27+s15+$0x0], $0xffff;
	[tilespmem:s30+$0xC370] =	vst v31;
	v31 =	vadd.s32 v3, v23  }
0x15b: {  	v51 =	vadd.s32 v10, v21;
	v25 =	vand.u32 $0x3800, v25;
	v28 =	vld.idx.msk [tilespmem:v28+s15+$0x0], $0xffff;
	v31 =	vor.u32 v24, v31  }
0x15c: {  	v38 =	vor.u32 v20, v51;
	v26 =	vand.u32 $0x380, v26;
	v52 =	vadd.s32 v1, v25;
	[tilespmem:s29+$0xC350] =	vst v34  }
0x15d: {  	v53 =	vadd.s32 v8, v18;
	v34 =	vor.u32 v26, v52;
	v32 =	vld.idx.msk [tilespmem:v32+s15+$0x0], $0xffff;
	[tilespmem:s31+$0xC330] =	vst v48  }
0x15e: {  	v54 =	vadd.s32 v6, v19;
	v36 =	vor.u32 v17, v53;
	v33 =	vld.idx.msk [tilespmem:v33+s15+$0x0], $0xffff;
	[tilespmem:s3+$0xC720] =	vst v35  }
0x15f: {  	v55 =	vadd.s32 v13, v30;
	v35 =	vor.u32 v22, v54;
	[tilespmem:s0+$0xC310] =	vst v27;
	v27 =	vld.idx.msk [tilespmem:v37+s15+$0x0], $0xffff  }
0x160: {  	v37 =	vor.u32 v29, v55;
	v31 =	vld.idx.msk [tilespmem:v31+s15+$0x0], $0xffff;
	[tilespmem:s30+$0xC700] =	vst v28;
	v28 =	vadd.s32 v4, v23  }
0x161: {  	v56 =	vadd.s32 v11, v21;
	v58 =	vadd.s32 v9, v18;
	v38 =	vld.idx.msk [tilespmem:v38+s15+$0x0], $0xffff;
	v28 =	vor.u32 v24, v28  }
0x162: {  	v39 =	vor.u32 v20, v56;
	v57 =	vadd.s32 v2, v25;
	v34 =	vld.idx.msk [tilespmem:v34+s15+$0x0], $0xffff;
	[tilespmem:s29+$0xC360] =	vst v32  }
0x163: {  	v61 =	vadd.s32 v5, v23;
	v32 =	vor.u32 v26, v57;
	v36 =	vld.idx.msk [tilespmem:v36+s15+$0x0], $0xffff;
	[tilespmem:s31+$0xC340] =	vst v33  }
0x164: {  	s13 =	simm.s32 $0x280;
	s17 =	simm.s32 $0x500;
	v33 =	vor.u32 v17, v58;
	v35 =	vld.idx.msk [tilespmem:v35+s15+$0x0], $0xffff;
	[tilespmem:s3+$0xC730] =	vst v27;
	v27 =	vadd.s32 v7, v19  }
0x165: {  	s7 =	sand.u32 $0x3800, s17;
	s2 =	sand.u32 $0x380, s13;
	[tilespmem:s0+$0xC320] =	vst v31;
	v31 =	vld.idx.msk [tilespmem:v37+s15+$0x0], $0xffff;
	v59 =	vor.u32 v22, v27;
	v27 =	vadd.s32 v14, v30  }
0x166: {  	s2 =	sor.u32 s2, s7;
	s22 =	simm.s32 $0x6;
	v46 =	vadd.s32 v3, v25;
	v60 =	vld.idx.msk [tilespmem:v28+s15+$0x0], $0xffff;
	[tilespmem:s30+$0xC710] =	vst v38;
	v62 =	vor.u32 v29, v27  }
0x167: {  	v28 =	vmov s22;
	[tilespmem:s2+$0xC300] =	vst v34;
	v38 =	vor.u32 v24, v61;
	v27 =	vadd.s32 v12, v21;
	v63 =	vld.idx.msk [tilespmem:v39+s15+$0x0], $0xffff  }
0x168: {  	v45 =	vshll.u32 v28, $0x7;
	v32 =	vld.idx.msk [tilespmem:v32+s15+$0x0], $0xffff;
	v28 =	vshll.u32 v28, $0x8;
	v47 =	vor.u32 v20, v27;
	[tilespmem:s29+$0xC370] =	vst v36  }
0x169: {  	v48 =	vadd.s32 v10, v18;
	v27 =	vand.u32 $0x3800, v28;
	v36 =	vor.u32 v26, v46;
	v33 =	vld.idx.msk [tilespmem:v33+s15+$0x0], $0xffff;
	[tilespmem:s31+$0xC350] =	vst v35  }
0x16a: {  	v28 =	vand.u32 $0x380, v45;
	v49 =	vadd.s32 v1, v27;
	v35 =	vor.u32 v17, v48;
	v37 =	vld.idx.msk [tilespmem:v59+s15+$0x0], $0xffff;
	[tilespmem:s3+$0xC740] =	vst v31  }
0x16b: {  	v50 =	vadd.s32 v8, v19;
	v31 =	vor.u32 v28, v49;
	[tilespmem:s0+$0xC330] =	vst v60;
	v51 =	vld.idx.msk [tilespmem:v62+s15+$0x0], $0xffff  }
0x16c: {  	v52 =	vadd.s32 v15, v30;
	v39 =	vor.u32 v22, v50;
	v38 =	vld.idx.msk [tilespmem:v38+s15+$0x0], $0xffff;
	[tilespmem:s30+$0xC720] =	vst v63  }
0x16d: {  	v53 =	vadd.s32 v6, v23;
	v34 =	vor.u32 v29, v52;
	[tilespmem:s2+$0xC310] =	vst v32;
	v54 =	vld.idx.msk [tilespmem:v47+s15+$0x0], $0xffff  }
0x16e: {  	v56 =	vadd.s32 v13, v21;
	v55 =	vor.u32 v24, v53;
	v36 =	vld.idx.msk [tilespmem:v36+s15+$0x0], $0xffff;
	[tilespmem:s29+$0xC700] =	vst v33  }
0x16f: {  	v57 =	vadd.s32 v4, v25;
	v59 =	vor.u32 v20, v56;
	v58 =	vld.idx.msk [tilespmem:v35+s15+$0x0], $0xffff  }
0x170: {  	v33 =	vor.u32 v26, v57;
	v60 =	vld.idx.msk [tilespmem:v31+s15+$0x0], $0xffff;
	[tilespmem:s31+$0xC360] =	vst v37;
	v31 =	vadd.s32 v11, v18  }
0x171: {  	v61 =	vadd.s32 v2, v27;
	v39 =	vld.idx.msk [tilespmem:v39+s15+$0x0], $0xffff;
	v46 =	vor.u32 v17, v31;
	[tilespmem:s3+$0xC750] =	vst v51  }
0x172: {  	v30 =	vadd.s32 v16, v30;
	v47 =	vor.u32 v28, v61;
	[tilespmem:s0+$0xC340] =	vst v38;
	v32 =	vld.idx.msk [tilespmem:v34+s15+$0x0], $0xffff  }
0x173: {  	s13 =	simm.s32 $0x600;
	s9 =	simm.s32 $0x300;
	v62 =	vadd.s32 v7, v23;
	v31 =	vadd.s32 v9, v19;
	v37 =	vld.idx.msk [tilespmem:v55+s15+$0x0], $0xffff;
	[tilespmem:s30+$0xC730] =	vst v54  }
0x174: {  	s8 =	sand.u32 $0x3800, s13;
	s22 =	sand.u32 $0x380, s9;
	v63 =	vadd.s32 v5, v25;
	v35 =	vor.u32 v22, v31;
	[tilespmem:s2+$0xC320] =	vst v36;
	v34 =	vld.idx.msk [tilespmem:v59+s15+$0x0], $0xffff  }
0x175: {  	s17 =	simm.s32 $0x7;
	s8 =	sor.u32 s22, s8;
	v41 =	vor.u32 v26, v63;
	v31 =	vor.u32 v29, v30;
	v40 =	vld.idx.msk [tilespmem:v33+s15+$0x0], $0xffff;
	[tilespmem:s29+$0xC710] =	vst v58  }
0x176: {  	s22 =	sadd.s32 s26, s6;
	v38 =	vor.u32 v24, v62;
	v29 =	vadd.s32 v14, v21;
	v30 =	vmov s17;
	[tilespmem:s8+$0xC300] =	vst v60;
	v36 =	vld.idx.msk [tilespmem:v46+s15+$0x0], $0xffff  }
0x177: {  	s28 =	sadd.s32 $0x1, s28;
	s7 =	simm.s32 $0x8;
	s17 =	sadd.s32 $0x40, s22;
	v33 =	vor.u32 v20, v29;
	v29 =	vshll.u32 v30, $0x7;
	v42 =	vld.idx.msk [tilespmem:v47+s15+$0x0], $0xffff;
	[tilespmem:s31+$0xC370] =	vst v39;
	v39 =	vadd.s32 v12, v18  }
.LBB2_7:
0x178: {  	v30 =	vshll.u32 v30, $0x8;
	v43 =	vadd.s32 v3, v27;
	v39 =	vor.u32 v17, v39  }
0x179: {  	p1 =	sne.s32 s7, $0x3F;
	v35 =	vld.idx.msk [tilespmem:v35+s15+$0x0], $0xffff;
	[tilespmem:s3+$0xC760] =	vst v32;
	v44 =	vmovc v25;
	v25 =	vmovc v27;
	v45 =	vmov v20;
	v20 =	vmov v17;
	v17 =	vmov v22  }
0x17a: {  	v27 =	vand.u32 $0x3800, v30;
	v30 =	vor.u32 v28, v43;
	[tilespmem:s0+$0xC350] =	vst v37;
	v43 =	vadd.s32 v10, v19;
	v31 =	vld.idx.msk [tilespmem:v31+s15+$0x0], $0xffff  }
0x17b: {  	v29 =	vand.u32 $0x380, v29;
	v32 =	vadd.s32 v1, v27;
	v37 =	vld.idx.msk [tilespmem:v38+s15+$0x0], $0xffff;
	v38 =	vor.u32 v17, v43;
	[tilespmem:s30+$0xC740] =	vst v34  }
0x17c: {  	v22 =	vmov v24;
	v34 =	vadd.s32 v8, v23;
	v32 =	vor.u32 v29, v32;
	[tilespmem:s2+$0xC330] =	vst v40;
	v33 =	vld.idx.msk [tilespmem:v33+s15+$0x0], $0xffff  }
0x17d: {  	v24 =	vmov v26;
	v34 =	vor.u32 v22, v34;
	v40 =	vld.idx.msk [tilespmem:v41+s15+$0x0], $0xffff;
	[tilespmem:s29+$0xC720] =	vst v36;
	v36 =	vadd.s32 v15, v21  }
0x17e: {  	v26 =	vmov v28;
	v41 =	vadd.s32 v6, v44;
	[tilespmem:s8+$0xC310] =	vst v42;
	v39 =	vld.idx.msk [tilespmem:v39+s15+$0x0], $0xffff;
	v36 =	vor.u32 v45, v36  }
0x17f: {  	v28 =	vmov v29;
	v41 =	vor.u32 v24, v41;
	v30 =	vld.idx.msk [tilespmem:v30+s15+$0x0], $0xffff;
	[tilespmem:s31+$0xC700] =	vst v35;
	v35 =	vadd.s32 v13, v18  }
0x180: {  	v29 =	vadd.s32 v4, v25;
	v42 =	vld.idx.msk [tilespmem:v38+s15+$0x0], $0xffff;
	v38 =	vor.u32 v20, v35;
	[tilespmem:s3+$0xC770] =	vst v31;
	s3 =	smov.u32 s30;
	s30 =	smov.u32 s29;
	s29 =	smov.u32 s31  }
0x181: {  	v29 =	vor.u32 v26, v29;
	v31 =	vadd.s32 v11, v19;
	s31 =	smov.u32 s0;
	v43 =	vld.idx.msk [tilespmem:v32+s15+$0x0], $0xffff;
	[tilespmem:s0+$0xC360] =	vst v37;
	s0 =	smov.u32 s2;
	s2 =	smov.u32 s8  }
0x182: {  	v32 =	vadd.s32 v2, v27;
	v47 =	vor.u32 v17, v31;
	v46 =	vld.idx.msk [tilespmem:v34+s15+$0x0], $0xffff;
	[tilespmem:s3+$0xC750] =	vst v33  }
0x183: {  	v31 =	vadd.s32 v9, v23;
	v48 =	vor.u32 v28, v32;
	[tilespmem:s0+$0xC340] =	vst v40;
	v32 =	vld.idx.msk [tilespmem:v36+s15+$0x0], $0xffff  }
.Ltmp2:
0x184: {  	s9 =	sadd.s32 $0x80, s9;
	s13 =	sadd.s32 $0x100, s13;
	v35 =	vor.u32 v22, v31;
	v31 =	vadd.s32 v16, v21;
	v21 =	vmov v18;
	v37 =	vld.idx.msk [tilespmem:v41+s15+$0x0], $0xffff;
	[tilespmem:s30+$0xC730] =	vst v39;
	(pc) =	sbr.rel @p1 .LBB2_7-.Ltmp2, $4  }
0x185: {  	s22 =	sand.u32 $0x380, s9;
	s8 =	sand.u32 $0x3800, s13;
	v18 =	vmov v19;
	v31 =	vor.u32 v45, v31;
	[tilespmem:s2+$0xC320] =	vst v30;
	v30 =	vadd.s32 v7, v44;
	v34 =	vld.idx.msk [tilespmem:v38+s15+$0x0], $0xffff  }
0x186: {  	s8 =	sor.u32 s22, s8;
	v19 =	vmov v23;
	v40 =	vld.idx.msk [tilespmem:v29+s15+$0x0], $0xffff;
	v38 =	vor.u32 v24, v30;
	[tilespmem:s29+$0xC710] =	vst v42;
	v29 =	vadd.s32 v14, v21  }
0x187: {  	v23 =	vmovc v44;
	v39 =	vadd.s32 v5, v25;
	v30 =	vmov s7;
	[tilespmem:s8+$0xC300] =	vst v43;
	v36 =	vld.idx.msk [tilespmem:v47+s15+$0x0], $0xffff;
	v33 =	vor.u32 v20, v29  }
0x188: {  	v41 =	vor.u32 v26, v39;
	v39 =	vadd.s32 v12, v18;
	s7 =	sadd.s32 $0x1, s7;
	v29 =	vshll.u32 v30, $0x7;
	v42 =	vld.idx.msk [tilespmem:v48+s15+$0x0], $0xffff;
	[tilespmem:s31+$0xC370] =	vst v46  }
0x189: {  	v30 =	vshll.u32 v30, $0x8  }
0x18a: {  	v30 =	vand.u32 $0x3800, v30  }
0x18b: {  	v29 =	vand.u32 $0x380, v29;
	v43 =	vadd.s32 v1, v30  }
0x18c: {  	v43 =	vor.u32 v29, v43;
	_ =	sdelay $0x4  }
0x18d: {  	v44 =	vadd.s32 v2, v30;
	v43 =	vld.idx.msk [tilespmem:v43+s15+$0x0], $0xffff  }
0x18e: {  	v44 =	vor.u32 v29, v44  }
0x18f: {  	s7 =	sadd.s32 $0x80, s9;
	s22 =	sadd.s32 $0x100, s13  }
0x190: {  	s9 =	sand.u32 $0x3800, s22;
	s7 =	sand.u32 $0x380, s7  }
0x191: {  	s9 =	sor.u32 s7, s9  }
0x192: {  	v45 =	vadd.s32 v3, v27;
	[tilespmem:s9+$0xC300] =	vst v43  }
0x193: {  	v58 =	vor.u32 v28, v45;
	v59 =	vadd.s32 v3, v30;
	v44 =	vld.idx.msk [tilespmem:v44+s15+$0x0], $0xffff  }
0x194: {  	v45 =	vor.u32 v29, v59;
	_ =	sdelay $0x2  }
0x195: {  	[tilespmem:s8+$0xC310] =	vst v42  }
0x196: {  	v60 =	vadd.s32 v4, v27;
	v42 =	vld.idx.msk [tilespmem:v58+s15+$0x0], $0xffff;
	[tilespmem:s9+$0xC310] =	vst v44  }
0x197: {  	v61 =	vadd.s32 v4, v30;
	v43 =	vor.u32 v28, v60;
	v44 =	vld.idx.msk [tilespmem:v45+s15+$0x0], $0xffff  }
0x198: {  	v45 =	vor.u32 v29, v61;
	_ =	sdelay $0x2  }
0x199: {  	[tilespmem:s8+$0xC320] =	vst v42  }
0x19a: {  	v62 =	vadd.s32 v5, v27;
	v42 =	vld.idx.msk [tilespmem:v43+s15+$0x0], $0xffff;
	[tilespmem:s9+$0xC320] =	vst v44  }
0x19b: {  	v63 =	vadd.s32 v5, v30;
	v43 =	vor.u32 v28, v62;
	v44 =	vld.idx.msk [tilespmem:v45+s15+$0x0], $0xffff  }
0x19c: {  	v45 =	vor.u32 v29, v63;
	_ =	sdelay $0x1  }
0x19d: {  	[tilespmem:s2+$0xC330] =	vst v40  }
0x19e: {  	v46 =	vadd.s32 v6, v25;
	v40 =	vld.idx.msk [tilespmem:v41+s15+$0x0], $0xffff;
	[tilespmem:s8+$0xC330] =	vst v42  }
0x19f: {  	v47 =	vadd.s32 v6, v27;
	v41 =	vor.u32 v26, v46;
	v42 =	vld.idx.msk [tilespmem:v43+s15+$0x0], $0xffff;
	[tilespmem:s9+$0xC330] =	vst v44  }
0x1a0: {  	v48 =	vadd.s32 v6, v30;
	v43 =	vor.u32 v28, v47;
	v44 =	vld.idx.msk [tilespmem:v45+s15+$0x0], $0xffff  }
0x1a1: {  	v45 =	vor.u32 v29, v48;
	_ =	sdelay $0x1  }
0x1a2: {  	[tilespmem:s2+$0xC340] =	vst v40  }
0x1a3: {  	v49 =	vadd.s32 v7, v25;
	v40 =	vld.idx.msk [tilespmem:v41+s15+$0x0], $0xffff;
	[tilespmem:s8+$0xC340] =	vst v42  }
0x1a4: {  	v50 =	vadd.s32 v7, v27;
	v41 =	vor.u32 v26, v49;
	v42 =	vld.idx.msk [tilespmem:v43+s15+$0x0], $0xffff;
	[tilespmem:s9+$0xC340] =	vst v44  }
0x1a5: {  	[tilespmem:s0+$0xC350] =	vst v37;
	v51 =	vadd.s32 v7, v30;
	v43 =	vor.u32 v28, v50;
	v44 =	vld.idx.msk [tilespmem:v45+s15+$0x0], $0xffff  }
0x1a6: {  	v52 =	vadd.s32 v8, v23;
	v37 =	vld.idx.msk [tilespmem:v38+s15+$0x0], $0xffff;
	v45 =	vor.u32 v29, v51  }
0x1a7: {  	[tilespmem:s3+$0xC760] =	vst v32;
	v38 =	vor.u32 v24, v52  }
0x1a8: {  	v35 =	vld.idx.msk [tilespmem:v35+s15+$0x0], $0xffff;
	[tilespmem:s2+$0xC350] =	vst v40  }
0x1a9: {  	v53 =	vadd.s32 v8, v25;
	v40 =	vld.idx.msk [tilespmem:v41+s15+$0x0], $0xffff;
	[tilespmem:s8+$0xC350] =	vst v42  }
0x1aa: {  	v54 =	vadd.s32 v8, v27;
	v41 =	vor.u32 v26, v53;
	v42 =	vld.idx.msk [tilespmem:v43+s15+$0x0], $0xffff;
	[tilespmem:s9+$0xC350] =	vst v44  }
0x1ab: {  	v55 =	vor.u32 v28, v54;
	v57 =	vadd.s32 v8, v30;
	[tilespmem:s0+$0xC360] =	vst v37;
	v56 =	vld.idx.msk [tilespmem:v45+s15+$0x0], $0xffff  }
0x1ac: {  	[tilespmem:s30+$0xC740] =	vst v34;
	v59 =	vadd.s32 v9, v23;
	v58 =	vor.u32 v29, v57;
	v37 =	vld.idx.msk [tilespmem:v38+s15+$0x0], $0xffff  }
0x1ad: {  	v31 =	vld.idx.msk [tilespmem:v31+s15+$0x0], $0xffff;
	[tilespmem:s29+$0xC720] =	vst v36;
	v38 =	vor.u32 v24, v59  }
0x1ae: {  	v39 =	vor.u32 v17, v39;
	v33 =	vld.idx.msk [tilespmem:v33+s15+$0x0], $0xffff;
	[tilespmem:s2+$0xC360] =	vst v40  }
0x1af: {  	v60 =	vadd.s32 v9, v25;
	v40 =	vld.idx.msk [tilespmem:v41+s15+$0x0], $0xffff;
	[tilespmem:s8+$0xC360] =	vst v42  }
0x1b0: {  	v61 =	vadd.s32 v9, v27;
	v41 =	vor.u32 v26, v60;
	v32 =	vld.idx.msk [tilespmem:v55+s15+$0x0], $0xffff;
	[tilespmem:s9+$0xC360] =	vst v56  }
0x1b1: {  	[tilespmem:s0+$0xC370] =	vst v37;
	v62 =	vor.u32 v28, v61;
	v63 =	vadd.s32 v9, v30;
	v34 =	vld.idx.msk [tilespmem:v58+s15+$0x0], $0xffff  }
0x1b2: {  	[tilespmem:s31+$0xC700] =	vst v35;
	v38 =	vld.idx.msk [tilespmem:v38+s15+$0x0], $0xffff;
	v48 =	vadd.s32 v10, v23;
	v45 =	vor.u32 v29, v63  }
0x1b3: {  	v46 =	vadd.s32 v10, v19;
	v39 =	vld.idx.msk [tilespmem:v39+s15+$0x0], $0xffff;
	[tilespmem:s3+$0xC770] =	vst v31;
	v49 =	vor.u32 v24, v48  }
0x1b4: {  	v47 =	vor.u32 v22, v46;
	[tilespmem:s2+$0xC370] =	vst v40;
	v50 =	vadd.s32 v10, v25;
	v48 =	vadd.s32 v13, v18  }
0x1b5: {  	v41 =	vld.idx.msk [tilespmem:v41+s15+$0x0], $0xffff;
	v51 =	vor.u32 v26, v50;
	v50 =	vor.u32 v17, v48;
	[tilespmem:s8+$0xC370] =	vst v32  }
0x1b6: {  	v52 =	vadd.s32 v10, v27;
	v36 =	vld.idx.msk [tilespmem:v62+s15+$0x0], $0xffff;
	[tilespmem:s9+$0xC370] =	vst v34  }
0x1b7: {  	v54 =	vadd.s32 v10, v30;
	v53 =	vor.u32 v28, v52;
	[tilespmem:s0+$0xC700] =	vst v38;
	v34 =	vld.idx.msk [tilespmem:v45+s15+$0x0], $0xffff  }
0x1b8: {  	[tilespmem:s30+$0xC750] =	vst v33;
	v60 =	vadd.s32 v11, v23;
	v40 =	vld.idx.msk [tilespmem:v49+s15+$0x0], $0xffff;
	v56 =	vor.u32 v29, v54  }
0x1b9: {  	[tilespmem:s29+$0xC730] =	vst v39;
	v61 =	vor.u32 v24, v60;
	v37 =	vld.idx.msk [tilespmem:v47+s15+$0x0], $0xffff;
	v58 =	vadd.s32 v11, v19  }
0x1ba: {  	[tilespmem:s2+$0xC700] =	vst v41;
	v55 =	vadd.s32 v15, v21;
	v39 =	vld.idx.msk [tilespmem:v50+s15+$0x0], $0xffff;
	v59 =	vor.u32 v22, v58  }
0x1bb: {  	v57 =	vor.u32 v20, v55;
	v32 =	vld.idx.msk [tilespmem:v51+s15+$0x0], $0xffff;
	v62 =	vadd.s32 v11, v25;
	[tilespmem:s8+$0xC700] =	vst v36  }
0x1bc: {  	v63 =	vor.u32 v26, v62;
	v31 =	vld.idx.msk [tilespmem:v53+s15+$0x0], $0xffff;
	v45 =	vadd.s32 v11, v27;
	[tilespmem:s9+$0xC700] =	vst v34  }
0x1bd: {  	v47 =	vadd.s32 v11, v30;
	[tilespmem:s0+$0xC710] =	vst v40;
	v46 =	vor.u32 v28, v45;
	v33 =	vld.idx.msk [tilespmem:v56+s15+$0x0], $0xffff  }
0x1be: {  	[tilespmem:s31+$0xC710] =	vst v37;
	v49 =	vor.u32 v29, v47;
	v41 =	vld.idx.msk [tilespmem:v61+s15+$0x0], $0xffff;
	v53 =	vadd.s32 v12, v23  }
0x1bf: {  	v51 =	vadd.s32 v12, v19;
	[tilespmem:s29+$0xC740] =	vst v39;
	v54 =	vor.u32 v24, v53;
	v38 =	vld.idx.msk [tilespmem:v59+s15+$0x0], $0xffff  }
0x1c0: {  	v61 =	vadd.s32 v16, v21;
	v35 =	vld.idx.msk [tilespmem:v57+s15+$0x0], $0xffff;
	v52 =	vor.u32 v22, v51;
	[tilespmem:s2+$0xC710] =	vst v32  }
0x1c1: {  	v55 =	vadd.s32 v12, v25;
	v62 =	vor.u32 v20, v61;
	v36 =	vld.idx.msk [tilespmem:v63+s15+$0x0], $0xffff;
	[tilespmem:s8+$0xC710] =	vst v31  }
0x1c2: {  	v57 =	vadd.s32 v12, v27;
	v56 =	vor.u32 v26, v55;
	v34 =	vld.idx.msk [tilespmem:v46+s15+$0x0], $0xffff;
	[tilespmem:s9+$0xC710] =	vst v33  }
0x1c3: {  	v60 =	vadd.s32 v12, v30;
	[tilespmem:s0+$0xC720] =	vst v41;
	v58 =	vor.u32 v28, v57;
	v59 =	vld.idx.msk [tilespmem:v49+s15+$0x0], $0xffff  }
0x1c4: {  	v37 =	vor.u32 v29, v60;
	v45 =	vadd.s32 v13, v23;
	v32 =	vld.idx.msk [tilespmem:v54+s15+$0x0], $0xffff;
	[tilespmem:s31+$0xC720] =	vst v38  }
0x1c5: {  	v44 =	vadd.s32 v13, v19;
	[tilespmem:s30+$0xC760] =	vst v35;
	v63 =	vld.idx.msk [tilespmem:v52+s15+$0x0], $0xffff;
	v46 =	vor.u32 v24, v45  }
0x1c6: {  	v20 =	vld.idx.msk [tilespmem:v62+s15+$0x0], $0xffff;
	[tilespmem:s2+$0xC720] =	vst v36;
	v38 =	vor.u32 v22, v44;
	v52 =	vadd.s32 v14, v18  }
0x1c7: {  	v47 =	vadd.s32 v13, v25;
	v54 =	vor.u32 v17, v52;
	v31 =	vld.idx.msk [tilespmem:v56+s15+$0x0], $0xffff;
	[tilespmem:s8+$0xC720] =	vst v34  }
0x1c8: {  	v48 =	vor.u32 v26, v47;
	v33 =	vld.idx.msk [tilespmem:v58+s15+$0x0], $0xffff;
	v49 =	vadd.s32 v13, v27;
	[tilespmem:s9+$0xC720] =	vst v59  }
0x1c9: {  	v51 =	vadd.s32 v13, v30;
	[tilespmem:s0+$0xC730] =	vst v32;
	v50 =	vor.u32 v28, v49;
	v37 =	vld.idx.msk [tilespmem:v37+s15+$0x0], $0xffff  }
0x1ca: {  	v57 =	vadd.s32 v14, v23;
	v53 =	vor.u32 v29, v51;
	[tilespmem:s31+$0xC730] =	vst v63;
	v36 =	vld.idx.msk [tilespmem:v46+s15+$0x0], $0xffff  }
0x1cb: {  	[tilespmem:s30+$0xC770] =	vst v20;
	v55 =	vadd.s32 v14, v19;
	v38 =	vld.idx.msk [tilespmem:v38+s15+$0x0], $0xffff;
	v58 =	vor.u32 v24, v57  }
0x1cc: {  	v44 =	vadd.s32 v15, v18;
	v56 =	vor.u32 v22, v55;
	v39 =	vld.idx.msk [tilespmem:v54+s15+$0x0], $0xffff;
	[tilespmem:s2+$0xC730] =	vst v31  }
0x1cd: {  	v45 =	vor.u32 v17, v44;
	v34 =	vld.idx.msk [tilespmem:v48+s15+$0x0], $0xffff;
	v59 =	vadd.s32 v14, v25;
	[tilespmem:s8+$0xC730] =	vst v33  }
0x1ce: {  	v61 =	vadd.s32 v14, v27;
	v60 =	vor.u32 v26, v59;
	v35 =	vld.idx.msk [tilespmem:v50+s15+$0x0], $0xffff;
	[tilespmem:s9+$0xC730] =	vst v37  }
0x1cf: {  	v62 =	vor.u32 v28, v61;
	v63 =	vadd.s32 v14, v30;
	[tilespmem:s0+$0xC740] =	vst v36;
	v21 =	vld.idx.msk [tilespmem:v53+s15+$0x0], $0xffff  }
0x1d0: {  	[tilespmem:s31+$0xC740] =	vst v38;
	v31 =	vld.idx.msk [tilespmem:v58+s15+$0x0], $0xffff;
	v48 =	vadd.s32 v15, v23;
	v37 =	vor.u32 v29, v63  }
0x1d1: {  	v46 =	vadd.s32 v15, v19;
	[tilespmem:s29+$0xC750] =	vst v39;
	v32 =	vld.idx.msk [tilespmem:v56+s15+$0x0], $0xffff;
	v49 =	vor.u32 v24, v48  }
0x1d2: {  	v47 =	vor.u32 v22, v46;
	v38 =	vld.idx.msk [tilespmem:v45+s15+$0x0], $0xffff;
	[tilespmem:s2+$0xC740] =	vst v34  }
0x1d3: {  	v50 =	vadd.s32 v15, v25;
	v33 =	vld.idx.msk [tilespmem:v60+s15+$0x0], $0xffff;
	[tilespmem:s8+$0xC740] =	vst v35  }
0x1d4: {  	v52 =	vadd.s32 v15, v27;
	v51 =	vor.u32 v26, v50;
	v20 =	vld.idx.msk [tilespmem:v62+s15+$0x0], $0xffff;
	[tilespmem:s9+$0xC740] =	vst v21  }
0x1d5: {  	v54 =	vadd.s32 v15, v30;
	[tilespmem:s0+$0xC750] =	vst v31;
	v53 =	vor.u32 v28, v52;
	v37 =	vld.idx.msk [tilespmem:v37+s15+$0x0], $0xffff  }
0x1d6: {  	v18 =	vadd.s32 v16, v18;
	v55 =	vor.u32 v29, v54;
	[tilespmem:s31+$0xC750] =	vst v32;
	v56 =	vld.idx.msk [tilespmem:v49+s15+$0x0], $0xffff  }
0x1d7: {  	v17 =	vor.u32 v17, v18;
	v57 =	vadd.s32 v16, v23;
	[tilespmem:s29+$0xC760] =	vst v38;
	v18 =	vld.idx.msk [tilespmem:v47+s15+$0x0], $0xffff  }
0x1d8: {  	v19 =	vadd.s32 v16, v19;
	v23 =	vor.u32 v24, v57;
	[tilespmem:s2+$0xC750] =	vst v33  }
0x1d9: {  	v19 =	vor.u32 v22, v19;
	v59 =	vadd.s32 v16, v25;
	v58 =	vld.idx.msk [tilespmem:v51+s15+$0x0], $0xffff;
	[tilespmem:s8+$0xC750] =	vst v20  }
0x1da: {  	v61 =	vadd.s32 v16, v27;
	v60 =	vor.u32 v26, v59;
	v21 =	vld.idx.msk [tilespmem:v53+s15+$0x0], $0xffff;
	[tilespmem:s9+$0xC750] =	vst v37  }
0x1db: {  	v25 =	vor.u32 v28, v61;
	v63 =	vadd.s32 v16, v30;
	[tilespmem:s0+$0xC760] =	vst v56;
	v62 =	vld.idx.msk [tilespmem:v55+s15+$0x0], $0xffff  }
0x1dc: {  	v17 =	vld.idx.msk [tilespmem:v17+s15+$0x0], $0xffff;
	[tilespmem:s31+$0xC760] =	vst v18;
	v18 =	vor.u32 v29, v63  }
0x1dd: {  	v22 =	vld.idx.msk [tilespmem:v23+s15+$0x0], $0xffff  }
0x1de: {  	v19 =	vld.idx.msk [tilespmem:v19+s15+$0x0], $0xffff;
	[tilespmem:s2+$0xC760] =	vst v58  }
0x1df: {  	v20 =	vld.idx.msk [tilespmem:v60+s15+$0x0], $0xffff;
	[tilespmem:s8+$0xC760] =	vst v21  }
0x1e0: {  	v21 =	vld.idx.msk [tilespmem:v25+s15+$0x0], $0xffff;
	[tilespmem:s9+$0xC760] =	vst v62  }
0x1e1: {  	[tilespmem:s29+$0xC770] =	vst v17;
	v17 =	vld.idx.msk [tilespmem:v18+s15+$0x0], $0xffff  }
0x1e2: {  	[tilespmem:s0+$0xC770] =	vst v22  }
0x1e3: {  	[tilespmem:s31+$0xC770] =	vst v19  }
0x1e4: {  	[tilespmem:s2+$0xC770] =	vst v20  }
0x1e5: {  	s31 =	sshll.u32 s17, $0x5;
	[tilespmem:s8+$0xC770] =	vst v21  }
0x1e6: {  	s0 =	sadd.s32 s4, s31;
	[tilespmem:s9+$0xC770] =	vst v17  }
0x1e7: {  	[hbm4b:s0+s5] =	stream.linear.scatter [tilespmem:s21], [sflag:$0x4], $0x4000, $0x38;
	[tilespmem:$0x10300] =	vst v63  }
0x1e8: {  	s0 =	sadd.s32 @!p0 s26, s12  }
0x1e9: {  	p1 =	sne.s32 @!p0 s28, $0x4;
	s0 =	sshll.u32 @!p0 s0, $0x5  }
0x1ea: {  	s3 =	simm.s32 @!p0 $0x4300;
	s2 =	simm.s32 @!p0 $0x0;
	s0 =	sadd.s32 @!p0 s1, s0  }
0x1eb: {  	[tilespmem:s3], [sflag:$0x2] =	stream.linear.gather @!p0 [hbm4b:s0+s2], $0x4000, $0x38;
	[tilespmem:$0x10300] =	vst v63  }
0x1ec: {  	p0 =	por p0, !p1  }
.Ltmp3:
0x1ed: {  	_ = 	snop;
	(pc) =	sbr.rel @!p0 .LBB2_4-.Ltmp3, $1  }
0x1ee: {  	_ =	sdelay $0x3  }
0x1ef: {  	s0 =	simm.s32 $0x3  }
0x1f0: {  	_ =	swait.ge [sflag:s0], $0x4000  }
0x1f1: {  	[sflag:s0] =	ssyncset.done $0x0  }
0x1f2: {  	[sflag:s0] =	ssyncadd.s32 $0xFFFFC000  }
0x1f3: {  	_ =	swait.ge [sflag:s23], $0x4000  }
0x1f4: {  	s24 =	sadd.s32 $0x1, s24;
	s31 =	rddreg [dreg:$0x8]  }
0x1f5: {  	p0 =	sne.s32 s24, s31  }
.Ltmp4:
0x1f6: {  	_ = 	snop;
	(pc) =	sbr.rel @p0 .LBB2_1-.Ltmp4, $3  }
0x1f7: {  	_ =	sdelay $0x1  }
0x1f8: {  	[sflag:s23] =	ssyncset.done $0x0  }
0x1f9: {  	[sflag:s23] =	ssyncadd.s32 $0xFFFFC000  }
0x1fa: {  	_ =	sfence.sel $0x180000  }
0x1fb: {  	[bflag:$0x0] =	sbarrier.arrive $0xFFFF  }
0x1fc: {  	_ =	strace $0x90000047  }
0x1fd: {  	s0 =	stileid.u32;
	[bflag:$0x2] =	sbarrier.arrive $0xFFFF  }
0x1fe: {  	p0 =	sne.s32 s0, $0x0;
	s0 =	rddreg [dreg:$0x4]  }
0x1ff: {  	s0 =	sadd.s32 @!p0 $0x100000, s0  }
0x200: {  	[sflag:s0] =	ssyncadd.tile.s32 @!p0 $0x1;
	_ =	shalt  }
.Lfunc_end2:
_tile_overlayer_lowered:
.L_overlay_start_2:
0x201: {  	(tag) =	ssettag $0x2  }
0x202: {  	s0 =	rddreg [dreg:$0x0];
	s2 =	stileid.u32  }
0x203: {  	s1 =	rddreg [dreg:$0x1];
	p0 =	sne.s32 s2, $0x0  }
0x204: {  	s3 =	rddreg [dreg:$0x2];
	[bflag:$0x3] =	sbarrier.arrive $0xFFFF;
	s2 =	simm.s32 @!p0 $0x1C05  }
0x205: {  	[timem:s3], [sflag:s2] =	dma.local @!p0 [hbm:s0], s1  }
0x206: {  	s0 =	simm.s32 @!p0 $0x5  }
0x207: {  	_ =	swait.ge @!p0 [sflag:s0], s1  }
0x208: {  	s1 =	ssub.s32 @!p0 $0x0, s1;
	[sflag:s0] =	ssyncset.done @!p0 $0x0  }
0x209: {  	[sflag:s0] =	ssyncadd.s32 @!p0 s1  }
0x20a: {  	[bflag:$0x3] =	sbarrier.arrive $0xFFFF  }
0x20b: {  	_ =	shalt  }

</sc_bundles>
